<compile_context>
chip_gen: v7x
topology: tpu7x:2x2x1
jax: 0.10.2.dev20260603
libtpu: 0.0.44.dev20260713+nightly
codegen_flags: <defaults>
</compile_context>

<pallas_src>
import jax
import jax.numpy as jnp
from jax import lax
from jax.experimental import pallas as pl
from jax.experimental.pallas import tpu as pltpu
from jax.experimental.pallas import tpu_sc as plsc

NC, NS, L = 2, 16, 16
NW = NC * NS
IDX_CHUNK = 128


def _sc_edge_embedding(table, lidx, ridx):
    (b,) = lidx.shape
    bpw = b // NW
    k = bpw // IDX_CHUNK
    nw = NW
    d = table.shape[1]
    mesh = plsc.VectorSubcoreMesh(core_axis_name="c", subcore_axis_name="s")

    def body(table_hbm, lidx_hbm, ridx_hbm, out_hbm, liv, riv, lv, rv, lsem, rsem, osem):
        wid = lax.axis_index("s") * NC + lax.axis_index("c")
        base = wid * bpw
        pltpu.sync_copy(lidx_hbm.at[pl.ds(base, bpw)], liv)
        pltpu.sync_copy(ridx_hbm.at[pl.ds(base, bpw)], riv)
        lcp, rcp, ocp = [], [], []
        for j in range(k):
            rows = pl.ds(j * IDX_CHUNK, IDX_CHUNK)
            lcp.append(pltpu.async_copy(table_hbm.at[liv.at[rows]], lv.at[rows], lsem.at[j]))
            rcp.append(pltpu.async_copy(table_hbm.at[riv.at[rows]], rv.at[rows], rsem.at[j]))
        for j in range(k):
            rows = pl.ds(j * IDX_CHUNK, IDX_CHUNK)
            lcp[j].wait()
            rcp[j].wait()

            @plsc.parallel_loop(j * IDX_CHUNK, (j + 1) * IDX_CHUNK, unroll=4)
            def mul_row(i):
                for c in range(d // L):
                    sl = pl.ds(c * L, L)
                    lv[i, sl] = lv[i, sl] * rv[i, sl]

            ocp.append(pltpu.async_copy(lv.at[rows], out_hbm.at[wid].at[rows], osem))
        for cp in ocp:
            cp.wait()

    run = pl.kernel(
        body,
        out_type=jax.ShapeDtypeStruct((nw, bpw, d), jnp.float32),
        mesh=mesh,
        scratch_types=[
            pltpu.VMEM((bpw,), jnp.int32),
            pltpu.VMEM((bpw,), jnp.int32),
            pltpu.VMEM((bpw, d), jnp.float32),
            pltpu.VMEM((bpw, d), jnp.float32),
            pltpu.SemaphoreType.DMA((k,)),
            pltpu.SemaphoreType.DMA((k,)),
            pltpu.SemaphoreType.DMA,
        ],
        compiler_params=pltpu.CompilerParams(use_tc_tiling_on_sc=False),
    )
    return run(table, lidx, ridx)


def kernel(left_input, right_input, embedding):
    b = left_input.shape[0]
    d = embedding.shape[1]
    out = _sc_edge_embedding(embedding, left_input.reshape(b), right_input.reshape(b))
    return out.reshape(b, 1, d)

# --- scband reference (transcript-rebuilt; emitter-appended) ---
"""Pipeline reference for scband-edge-embedding-27891517620236 (READ-ONLY COPY).

The authoritative reference and input builder live on the scoring server;
editing this copy changes nothing except your own understanding.
"""

import jax, jax.numpy as jnp
import numpy as np

VOCAB = 100000
EMBED_DIM = 64
BATCH = 16384


def setup_inputs(seed: int = 0) -> dict:
    key = jax.random.key(seed)
    k1, k2, k3 = jax.random.split(key, 3)
    left_input = jax.random.randint(k1, (BATCH, 1), 0, VOCAB, dtype=jnp.int32)
    right_input = jax.random.randint(k2, (BATCH, 1), 0, VOCAB, dtype=jnp.int32)
    # Learned embedding table (constructor arg `embedding` in the original Keras layer)
    embedding = jax.random.normal(k3, (VOCAB, EMBED_DIM), dtype=jnp.float32) * 0.02
    return {"left_input": left_input, "right_input": right_input, "embedding": embedding}


def reference(left_input, right_input, embedding):
    # EdgeEmbedding.call: shared embedding lookup on the left and right node ids,
    # then combine via the child-class _call. The abstract _call is implemented
    # here as the canonical Hadamard edge embedding (elementwise product),
    # the standard concrete subclass for this layer family.
    left_emb = jnp.take(embedding, left_input, axis=0)   # [B, 1, D]
    right_emb = jnp.take(embedding, right_input, axis=0)  # [B, 1, D]
    return left_emb * right_emb

if __name__ == "__main__":
    import jax
    _d = setup_inputs()
    print(jax.jit(kernel)(*tuple(_d.values())))

</pallas_src>

<mosaic_0001>
#map = affine_map<(d0, d1) -> (0, 0)>
#map1 = affine_map<(d0, d1) -> (0)>
#map2 = affine_map<(d0, d1) -> (0, 0, 0)>
module attributes {stable_mosaic.version = 14 : i64} {
  func.func @body(%arg0: i32, %arg1: i32, %arg2: memref<100000x64xf32, #tpu.memory_space<hbm>>, %arg3: memref<16384xi32, #tpu.memory_space<hbm>>, %arg4: memref<16384xi32, #tpu.memory_space<hbm>>, %arg5: memref<32x512x64xf32, #tpu.memory_space<hbm>>, %arg6: memref<512xi32, #tpu.memory_space<vmem>>, %arg7: memref<512xi32, #tpu.memory_space<vmem>>, %arg8: memref<512x64xf32, #tpu.memory_space<vmem>>, %arg9: memref<512x64xf32, #tpu.memory_space<vmem>>, %arg10: memref<4x!tpu.dma_semaphore, #tpu.memory_space<semaphore_mem>>, %arg11: memref<4x!tpu.dma_semaphore, #tpu.memory_space<semaphore_mem>>, %arg12: memref<!tpu.dma_semaphore, #tpu.memory_space<semaphore_mem>>) attributes {dimension_semantics = [#tpu.dimension_semantics<core_parallel>, #tpu.dimension_semantics<subcore_parallel>], iteration_bounds = array<i64: 2, 16>, scalar_prefetch = 0 : i64, scratch_operands = 7 : i64, tpu.core_type = #tpu.core_type<sc_vector_subcore>, window_params = [{transform_indices = #map}, {transform_indices = #map1}, {transform_indices = #map1}, {transform_indices = #map2}]} {
    %mul3A = arith.constant 2 : i32
    %mul3A_0 = arith.muli %arg1, %mul3A : i32
    %add3A = arith.addi %mul3A_0, %arg0 : i32
    %mul3A_1 = arith.constant 512 : i32
    %mul3A_2 = arith.muli %add3A, %mul3A_1 : i32
    "tpu.region"() ({
      %run_scoped3A = tpu.sem_alloc : memref<!tpu.dma_semaphore, #tpu.memory_space<semaphore_mem>>
      %dma_start3A_348 = tpu.memref_slice %arg3[%mul3A_2] : memref<16384xi32, #tpu.memory_space<hbm>> -> memref<512xi32, #tpu.memory_space<hbm>>
      %dma_start3A_349 = tpu.memref_slice %arg3[%mul3A_2] : memref<16384xi32, #tpu.memory_space<hbm>> -> memref<512xi32, #tpu.memory_space<hbm>>
      tpu.enqueue_dma source(%dma_start3A_349 : memref<512xi32, #tpu.memory_space<hbm>>) target(%arg6 : memref<512xi32, #tpu.memory_space<vmem>>) target_semaphore(%run_scoped3A : memref<!tpu.dma_semaphore, #tpu.memory_space<semaphore_mem>>)
      %dma_wait3A_350 = tpu.memref_slice %arg3[%mul3A_2] : memref<16384xi32, #tpu.memory_space<hbm>> -> memref<512xi32, #tpu.memory_space<hbm>>
      %dma_wait3A_351 = tpu.memref_slice %arg3[%mul3A_2] : memref<16384xi32, #tpu.memory_space<hbm>> -> memref<512xi32, #tpu.memory_space<hbm>>
      tpu.wait_dma2 semaphore(%run_scoped3A : memref<!tpu.dma_semaphore, #tpu.memory_space<semaphore_mem>>) src(%dma_wait3A_351 : memref<512xi32, #tpu.memory_space<hbm>>) dst(%arg6 : memref<512xi32, #tpu.memory_space<vmem>>)
      tpu.yield
    }) : () -> ()
    "tpu.region"() ({
      %run_scoped3A = tpu.sem_alloc : memref<!tpu.dma_semaphore, #tpu.memory_space<semaphore_mem>>
      %dma_start3A_348 = tpu.memref_slice %arg4[%mul3A_2] : memref<16384xi32, #tpu.memory_space<hbm>> -> memref<512xi32, #tpu.memory_space<hbm>>
      %dma_start3A_349 = tpu.memref_slice %arg4[%mul3A_2] : memref<16384xi32, #tpu.memory_space<hbm>> -> memref<512xi32, #tpu.memory_space<hbm>>
      tpu.enqueue_dma source(%dma_start3A_349 : memref<512xi32, #tpu.memory_space<hbm>>) target(%arg7 : memref<512xi32, #tpu.memory_space<vmem>>) target_semaphore(%run_scoped3A : memref<!tpu.dma_semaphore, #tpu.memory_space<semaphore_mem>>)
      %dma_wait3A_350 = tpu.memref_slice %arg4[%mul3A_2] : memref<16384xi32, #tpu.memory_space<hbm>> -> memref<512xi32, #tpu.memory_space<hbm>>
      %dma_wait3A_351 = tpu.memref_slice %arg4[%mul3A_2] : memref<16384xi32, #tpu.memory_space<hbm>> -> memref<512xi32, #tpu.memory_space<hbm>>
      tpu.wait_dma2 semaphore(%run_scoped3A : memref<!tpu.dma_semaphore, #tpu.memory_space<semaphore_mem>>) src(%dma_wait3A_351 : memref<512xi32, #tpu.memory_space<hbm>>) dst(%arg7 : memref<512xi32, #tpu.memory_space<vmem>>)
      tpu.yield
    }) : () -> ()
    %dma_start3A = arith.constant 0 : i32
    %dma_start3A_3 = arith.constant 0 : i32
    %dma_start3A_4 = arith.constant 0 : i32
    %dma_start3A_5 = tpu.memref_slice %arg8[%dma_start3A_3, %dma_start3A_4] : memref<512x64xf32, #tpu.memory_space<vmem>> -> memref<128x64xf32, #tpu.memory_space<vmem>>
    %dma_start3A_6 = arith.constant 0 : i32
    %dma_start3A_7 = tpu.memref_slice %arg6[%dma_start3A_6] : memref<512xi32, #tpu.memory_space<vmem>> -> memref<128xi32, #tpu.memory_space<vmem>>
    %dma_start3A_8 = arith.constant 0 : i32
    %dma_start3A_9 = arith.constant 0 : i32
    %dma_start3A_10 = tpu.memref_slice %arg2[%dma_start3A_8, %dma_start3A_9] : memref<100000x64xf32, #tpu.memory_space<hbm>> -> memref<100000x64xf32, #tpu.memory_space<hbm>>
    %dma_start3A_11 = tpu.memref_slice %arg10[%dma_start3A] : memref<4x!tpu.dma_semaphore, #tpu.memory_space<semaphore_mem>> -> memref<1x!tpu.dma_semaphore, #tpu.memory_space<semaphore_mem>>
    %dma_start3A_12 = tpu.memref_squeeze %dma_start3A_11 : memref<1x!tpu.dma_semaphore, #tpu.memory_space<semaphore_mem>> -> memref<!tpu.dma_semaphore, #tpu.memory_space<semaphore_mem>>
    tpu.enqueue_indirect_dma source(%dma_start3A_10 : memref<100000x64xf32, #tpu.memory_space<hbm>>) target(%dma_start3A_5 : memref<128x64xf32, #tpu.memory_space<vmem>>) offsets(%dma_start3A_7 : memref<128xi32, #tpu.memory_space<vmem>>) semaphore(%dma_start3A_12 : memref<!tpu.dma_semaphore, #tpu.memory_space<semaphore_mem>>)
    %dma_start3A_13 = arith.constant 0 : i32
    %dma_start3A_14 = arith.constant 0 : i32
    %dma_start3A_15 = arith.constant 0 : i32
    %dma_start3A_16 = tpu.memref_slice %arg9[%dma_start3A_14, %dma_start3A_15] : memref<512x64xf32, #tpu.memory_space<vmem>> -> memref<128x64xf32, #tpu.memory_space<vmem>>
    %dma_start3A_17 = arith.constant 0 : i32
    %dma_start3A_18 = tpu.memref_slice %arg7[%dma_start3A_17] : memref<512xi32, #tpu.memory_space<vmem>> -> memref<128xi32, #tpu.memory_space<vmem>>
    %dma_start3A_19 = arith.constant 0 : i32
    %dma_start3A_20 = arith.constant 0 : i32
    %dma_start3A_21 = tpu.memref_slice %arg2[%dma_start3A_19, %dma_start3A_20] : memref<100000x64xf32, #tpu.memory_space<hbm>> -> memref<100000x64xf32, #tpu.memory_space<hbm>>
    %dma_start3A_22 = tpu.memref_slice %arg11[%dma_start3A_13] : memref<4x!tpu.dma_semaphore, #tpu.memory_space<semaphore_mem>> -> memref<1x!tpu.dma_semaphore, #tpu.memory_space<semaphore_mem>>
    %dma_start3A_23 = tpu.memref_squeeze %dma_start3A_22 : memref<1x!tpu.dma_semaphore, #tpu.memory_space<semaphore_mem>> -> memref<!tpu.dma_semaphore, #tpu.memory_space<semaphore_mem>>
    tpu.enqueue_indirect_dma source(%dma_start3A_21 : memref<100000x64xf32, #tpu.memory_space<hbm>>) target(%dma_start3A_16 : memref<128x64xf32, #tpu.memory_space<vmem>>) offsets(%dma_start3A_18 : memref<128xi32, #tpu.memory_space<vmem>>) semaphore(%dma_start3A_23 : memref<!tpu.dma_semaphore, #tpu.memory_space<semaphore_mem>>)
    %dma_start3A_24 = arith.constant 1 : i32
    %dma_start3A_25 = arith.constant 128 : i32
    %dma_start3A_26 = arith.constant 0 : i32
    %dma_start3A_27 = tpu.memref_slice %arg8[%dma_start3A_25, %dma_start3A_26] : memref<512x64xf32, #tpu.memory_space<vmem>> -> memref<128x64xf32, #tpu.memory_space<vmem>>
    %dma_start3A_28 = arith.constant 128 : i32
    %dma_start3A_29 = tpu.memref_slice %arg6[%dma_start3A_28] : memref<512xi32, #tpu.memory_space<vmem>> -> memref<128xi32, #tpu.memory_space<vmem>>
    %dma_start3A_30 = arith.constant 0 : i32
    %dma_start3A_31 = arith.constant 0 : i32
    %dma_start3A_32 = tpu.memref_slice %arg2[%dma_start3A_30, %dma_start3A_31] : memref<100000x64xf32, #tpu.memory_space<hbm>> -> memref<100000x64xf32, #tpu.memory_space<hbm>>
    %dma_start3A_33 = tpu.memref_slice %arg10[%dma_start3A_24] : memref<4x!tpu.dma_semaphore, #tpu.memory_space<semaphore_mem>> -> memref<1x!tpu.dma_semaphore, #tpu.memory_space<semaphore_mem>>
    %dma_start3A_34 = tpu.memref_squeeze %dma_start3A_33 : memref<1x!tpu.dma_semaphore, #tpu.memory_space<semaphore_mem>> -> memref<!tpu.dma_semaphore, #tpu.memory_space<semaphore_mem>>
    tpu.enqueue_indirect_dma source(%dma_start3A_32 : memref<100000x64xf32, #tpu.memory_space<hbm>>) target(%dma_start3A_27 : memref<128x64xf32, #tpu.memory_space<vmem>>) offsets(%dma_start3A_29 : memref<128xi32, #tpu.memory_space<vmem>>) semaphore(%dma_start3A_34 : memref<!tpu.dma_semaphore, #tpu.memory_space<semaphore_mem>>)
    %dma_start3A_35 = arith.constant 1 : i32
    %dma_start3A_36 = arith.constant 128 : i32
    %dma_start3A_37 = arith.constant 0 : i32
    %dma_start3A_38 = tpu.memref_slice %arg9[%dma_start3A_36, %dma_start3A_37] : memref<512x64xf32, #tpu.memory_space<vmem>> -> memref<128x64xf32, #tpu.memory_space<vmem>>
    %dma_start3A_39 = arith.constant 128 : i32
    %dma_start3A_40 = tpu.memref_slice %arg7[%dma_start3A_39] : memref<512xi32, #tpu.memory_space<vmem>> -> memref<128xi32, #tpu.memory_space<vmem>>
    %dma_start3A_41 = arith.constant 0 : i32
    %dma_start3A_42 = arith.constant 0 : i32
    %dma_start3A_43 = tpu.memref_slice %arg2[%dma_start3A_41, %dma_start3A_42] : memref<100000x64xf32, #tpu.memory_space<hbm>> -> memref<100000x64xf32, #tpu.memory_space<hbm>>
    %dma_start3A_44 = tpu.memref_slice %arg11[%dma_start3A_35] : memref<4x!tpu.dma_semaphore, #tpu.memory_space<semaphore_mem>> -> memref<1x!tpu.dma_semaphore, #tpu.memory_space<semaphore_mem>>
    %dma_start3A_45 = tpu.memref_squeeze %dma_start3A_44 : memref<1x!tpu.dma_semaphore, #tpu.memory_space<semaphore_mem>> -> memref<!tpu.dma_semaphore, #tpu.memory_space<semaphore_mem>>
    tpu.enqueue_indirect_dma source(%dma_start3A_43 : memref<100000x64xf32, #tpu.memory_space<hbm>>) target(%dma_start3A_38 : memref<128x64xf32, #tpu.memory_space<vmem>>) offsets(%dma_start3A_40 : memref<128xi32, #tpu.memory_space<vmem>>) semaphore(%dma_start3A_45 : memref<!tpu.dma_semaphore, #tpu.memory_space<semaphore_mem>>)
    %dma_start3A_46 = arith.constant 2 : i32
    %dma_start3A_47 = arith.constant 256 : i32
    %dma_start3A_48 = arith.constant 0 : i32
    %dma_start3A_49 = tpu.memref_slice %arg8[%dma_start3A_47, %dma_start3A_48] : memref<512x64xf32, #tpu.memory_space<vmem>> -> memref<128x64xf32, #tpu.memory_space<vmem>>
    %dma_start3A_50 = arith.constant 256 : i32
    %dma_start3A_51 = tpu.memref_slice %arg6[%dma_start3A_50] : memref<512xi32, #tpu.memory_space<vmem>> -> memref<128xi32, #tpu.memory_space<vmem>>
    %dma_start3A_52 = arith.constant 0 : i32
    %dma_start3A_53 = arith.constant 0 : i32
    %dma_start3A_54 = tpu.memref_slice %arg2[%dma_start3A_52, %dma_start3A_53] : memref<100000x64xf32, #tpu.memory_space<hbm>> -> memref<100000x64xf32, #tpu.memory_space<hbm>>
    %dma_start3A_55 = tpu.memref_slice %arg10[%dma_start3A_46] : memref<4x!tpu.dma_semaphore, #tpu.memory_space<semaphore_mem>> -> memref<1x!tpu.dma_semaphore, #tpu.memory_space<semaphore_mem>>
    %dma_start3A_56 = tpu.memref_squeeze %dma_start3A_55 : memref<1x!tpu.dma_semaphore, #tpu.memory_space<semaphore_mem>> -> memref<!tpu.dma_semaphore, #tpu.memory_space<semaphore_mem>>
    tpu.enqueue_indirect_dma source(%dma_start3A_54 : memref<100000x64xf32, #tpu.memory_space<hbm>>) target(%dma_start3A_49 : memref<128x64xf32, #tpu.memory_space<vmem>>) offsets(%dma_start3A_51 : memref<128xi32, #tpu.memory_space<vmem>>) semaphore(%dma_start3A_56 : memref<!tpu.dma_semaphore, #tpu.memory_space<semaphore_mem>>)
    %dma_start3A_57 = arith.constant 2 : i32
    %dma_start3A_58 = arith.constant 256 : i32
    %dma_start3A_59 = arith.constant 0 : i32
    %dma_start3A_60 = tpu.memref_slice %arg9[%dma_start3A_58, %dma_start3A_59] : memref<512x64xf32, #tpu.memory_space<vmem>> -> memref<128x64xf32, #tpu.memory_space<vmem>>
    %dma_start3A_61 = arith.constant 256 : i32
    %dma_start3A_62 = tpu.memref_slice %arg7[%dma_start3A_61] : memref<512xi32, #tpu.memory_space<vmem>> -> memref<128xi32, #tpu.memory_space<vmem>>
    %dma_start3A_63 = arith.constant 0 : i32
    %dma_start3A_64 = arith.constant 0 : i32
    %dma_start3A_65 = tpu.memref_slice %arg2[%dma_start3A_63, %dma_start3A_64] : memref<100000x64xf32, #tpu.memory_space<hbm>> -> memref<100000x64xf32, #tpu.memory_space<hbm>>
    %dma_start3A_66 = tpu.memref_slice %arg11[%dma_start3A_57] : memref<4x!tpu.dma_semaphore, #tpu.memory_space<semaphore_mem>> -> memref<1x!tpu.dma_semaphore, #tpu.memory_space<semaphore_mem>>
    %dma_start3A_67 = tpu.memref_squeeze %dma_start3A_66 : memref<1x!tpu.dma_semaphore, #tpu.memory_space<semaphore_mem>> -> memref<!tpu.dma_semaphore, #tpu.memory_space<semaphore_mem>>
    tpu.enqueue_indirect_dma source(%dma_start3A_65 : memref<100000x64xf32, #tpu.memory_space<hbm>>) target(%dma_start3A_60 : memref<128x64xf32, #tpu.memory_space<vmem>>) offsets(%dma_start3A_62 : memref<128xi32, #tpu.memory_space<vmem>>) semaphore(%dma_start3A_67 : memref<!tpu.dma_semaphore, #tpu.memory_space<semaphore_mem>>)
    %dma_start3A_68 = arith.constant 3 : i32
    %dma_start3A_69 = arith.constant 384 : i32
    %dma_start3A_70 = arith.constant 0 : i32
    %dma_start3A_71 = tpu.memref_slice %arg8[%dma_start3A_69, %dma_start3A_70] : memref<512x64xf32, #tpu.memory_space<vmem>> -> memref<128x64xf32, #tpu.memory_space<vmem>>
    %dma_start3A_72 = arith.constant 384 : i32
    %dma_start3A_73 = tpu.memref_slice %arg6[%dma_start3A_72] : memref<512xi32, #tpu.memory_space<vmem>> -> memref<128xi32, #tpu.memory_space<vmem>>
    %dma_start3A_74 = arith.constant 0 : i32
    %dma_start3A_75 = arith.constant 0 : i32
    %dma_start3A_76 = tpu.memref_slice %arg2[%dma_start3A_74, %dma_start3A_75] : memref<100000x64xf32, #tpu.memory_space<hbm>> -> memref<100000x64xf32, #tpu.memory_space<hbm>>
    %dma_start3A_77 = tpu.memref_slice %arg10[%dma_start3A_68] : memref<4x!tpu.dma_semaphore, #tpu.memory_space<semaphore_mem>> -> memref<1x!tpu.dma_semaphore, #tpu.memory_space<semaphore_mem>>
    %dma_start3A_78 = tpu.memref_squeeze %dma_start3A_77 : memref<1x!tpu.dma_semaphore, #tpu.memory_space<semaphore_mem>> -> memref<!tpu.dma_semaphore, #tpu.memory_space<semaphore_mem>>
    tpu.enqueue_indirect_dma source(%dma_start3A_76 : memref<100000x64xf32, #tpu.memory_space<hbm>>) target(%dma_start3A_71 : memref<128x64xf32, #tpu.memory_space<vmem>>) offsets(%dma_start3A_73 : memref<128xi32, #tpu.memory_space<vmem>>) semaphore(%dma_start3A_78 : memref<!tpu.dma_semaphore, #tpu.memory_space<semaphore_mem>>)
    %dma_start3A_79 = arith.constant 3 : i32
    %dma_start3A_80 = arith.constant 384 : i32
    %dma_start3A_81 = arith.constant 0 : i32
    %dma_start3A_82 = tpu.memref_slice %arg9[%dma_start3A_80, %dma_start3A_81] : memref<512x64xf32, #tpu.memory_space<vmem>> -> memref<128x64xf32, #tpu.memory_space<vmem>>
    %dma_start3A_83 = arith.constant 384 : i32
    %dma_start3A_84 = tpu.memref_slice %arg7[%dma_start3A_83] : memref<512xi32, #tpu.memory_space<vmem>> -> memref<128xi32, #tpu.memory_space<vmem>>
    %dma_start3A_85 = arith.constant 0 : i32
    %dma_start3A_86 = arith.constant 0 : i32
    %dma_start3A_87 = tpu.memref_slice %arg2[%dma_start3A_85, %dma_start3A_86] : memref<100000x64xf32, #tpu.memory_space<hbm>> -> memref<100000x64xf32, #tpu.memory_space<hbm>>
    %dma_start3A_88 = tpu.memref_slice %arg11[%dma_start3A_79] : memref<4x!tpu.dma_semaphore, #tpu.memory_space<semaphore_mem>> -> memref<1x!tpu.dma_semaphore, #tpu.memory_space<semaphore_mem>>
    %dma_start3A_89 = tpu.memref_squeeze %dma_start3A_88 : memref<1x!tpu.dma_semaphore, #tpu.memory_space<semaphore_mem>> -> memref<!tpu.dma_semaphore, #tpu.memory_space<semaphore_mem>>
    tpu.enqueue_indirect_dma source(%dma_start3A_87 : memref<100000x64xf32, #tpu.memory_space<hbm>>) target(%dma_start3A_82 : memref<128x64xf32, #tpu.memory_space<vmem>>) offsets(%dma_start3A_84 : memref<128xi32, #tpu.memory_space<vmem>>) semaphore(%dma_start3A_89 : memref<!tpu.dma_semaphore, #tpu.memory_space<semaphore_mem>>)
    %dma_wait3A = arith.constant 0 : i32
    %dma_wait3A_90 = arith.constant 0 : i32
    %dma_wait3A_91 = arith.constant 0 : i32
    %dma_wait3A_92 = tpu.memref_slice %arg8[%dma_wait3A_90, %dma_wait3A_91] : memref<512x64xf32, #tpu.memory_space<vmem>> -> memref<128x64xf32, #tpu.memory_space<vmem>>
    %dma_wait3A_93 = arith.constant 0 : i32
    %dma_wait3A_94 = tpu.memref_slice %arg6[%dma_wait3A_93] : memref<512xi32, #tpu.memory_space<vmem>> -> memref<128xi32, #tpu.memory_space<vmem>>
    %dma_wait3A_95 = arith.constant 0 : i32
    %dma_wait3A_96 = arith.constant 0 : i32
    %dma_wait3A_97 = tpu.memref_slice %arg2[%dma_wait3A_95, %dma_wait3A_96] : memref<100000x64xf32, #tpu.memory_space<hbm>> -> memref<100000x64xf32, #tpu.memory_space<hbm>>
    %dma_wait3A_98 = tpu.memref_slice %arg10[%dma_wait3A] : memref<4x!tpu.dma_semaphore, #tpu.memory_space<semaphore_mem>> -> memref<1x!tpu.dma_semaphore, #tpu.memory_space<semaphore_mem>>
    %dma_wait3A_99 = tpu.memref_squeeze %dma_wait3A_98 : memref<1x!tpu.dma_semaphore, #tpu.memory_space<semaphore_mem>> -> memref<!tpu.dma_semaphore, #tpu.memory_space<semaphore_mem>>
    tpu.wait_indirect_dma semaphore(%dma_wait3A_99 : memref<!tpu.dma_semaphore, #tpu.memory_space<semaphore_mem>>) src(%dma_wait3A_97 : memref<100000x64xf32, #tpu.memory_space<hbm>>) dst(%dma_wait3A_92 : memref<128x64xf32, #tpu.memory_space<vmem>>)
    %dma_wait3A_100 = arith.constant 0 : i32
    %dma_wait3A_101 = arith.constant 0 : i32
    %dma_wait3A_102 = arith.constant 0 : i32
    %dma_wait3A_103 = tpu.memref_slice %arg9[%dma_wait3A_101, %dma_wait3A_102] : memref<512x64xf32, #tpu.memory_space<vmem>> -> memref<128x64xf32, #tpu.memory_space<vmem>>
    %dma_wait3A_104 = arith.constant 0 : i32
    %dma_wait3A_105 = tpu.memref_slice %arg7[%dma_wait3A_104] : memref<512xi32, #tpu.memory_space<vmem>> -> memref<128xi32, #tpu.memory_space<vmem>>
    %dma_wait3A_106 = arith.constant 0 : i32
    %dma_wait3A_107 = arith.constant 0 : i32
    %dma_wait3A_108 = tpu.memref_slice %arg2[%dma_wait3A_106, %dma_wait3A_107] : memref<100000x64xf32, #tpu.memory_space<hbm>> -> memref<100000x64xf32, #tpu.memory_space<hbm>>
    %dma_wait3A_109 = tpu.memref_slice %arg11[%dma_wait3A_100] : memref<4x!tpu.dma_semaphore, #tpu.memory_space<semaphore_mem>> -> memref<1x!tpu.dma_semaphore, #tpu.memory_space<semaphore_mem>>
    %dma_wait3A_110 = tpu.memref_squeeze %dma_wait3A_109 : memref<1x!tpu.dma_semaphore, #tpu.memory_space<semaphore_mem>> -> memref<!tpu.dma_semaphore, #tpu.memory_space<semaphore_mem>>
    tpu.wait_indirect_dma semaphore(%dma_wait3A_110 : memref<!tpu.dma_semaphore, #tpu.memory_space<semaphore_mem>>) src(%dma_wait3A_108 : memref<100000x64xf32, #tpu.memory_space<hbm>>) dst(%dma_wait3A_103 : memref<128x64xf32, #tpu.memory_space<vmem>>)
    %parallel_loop3A = arith.constant 0 : i32
    %parallel_loop3A_111 = arith.constant 128 : i32
    %parallel_loop3A_112 = arith.constant 1 : i32
    scf.for %parallel_loop3A_348 = %parallel_loop3A to %parallel_loop3A_111 step %parallel_loop3A_112  : i32 {
      %parallel_loop3A_349 = arith.index_cast %parallel_loop3A_348 : i32 to index
      %parallel_loop3A_350 = arith.constant 0 : index
      %parallel_loop3A_351 = tpu.vector_load %arg8[%parallel_loop3A_349, %parallel_loop3A_350] {strides = array<i32>} : memref<512x64xf32, #tpu.memory_space<vmem>>, vector<1x16xf32>,
      %parallel_loop3A_352 = vector.shape_cast %parallel_loop3A_351 : vector<1x16xf32> to vector<16xf32>
      %parallel_loop3A_353 = arith.index_cast %parallel_loop3A_348 : i32 to index
      %parallel_loop3A_354 = arith.constant 0 : index
      %parallel_loop3A_355 = tpu.vector_load %arg9[%parallel_loop3A_353, %parallel_loop3A_354] {strides = array<i32>} : memref<512x64xf32, #tpu.memory_space<vmem>>, vector<1x16xf32>,
      %parallel_loop3A_356 = vector.shape_cast %parallel_loop3A_355 : vector<1x16xf32> to vector<16xf32>
      %parallel_loop3A_357 = arith.mulf %parallel_loop3A_352, %parallel_loop3A_356 : vector<16xf32>
      %parallel_loop3A_358 = arith.index_cast %parallel_loop3A_348 : i32 to index
      %parallel_loop3A_359 = arith.constant 0 : index
      %parallel_loop3A_360 = tpu.vector_load %arg8[%parallel_loop3A_358, %parallel_loop3A_359] {strides = array<i32>} : memref<512x64xf32, #tpu.memory_space<vmem>>, vector<1x16xf32>,
      %parallel_loop3A_361 = vector.shape_cast %parallel_loop3A_360 : vector<1x16xf32> to vector<16xf32>
      %parallel_loop3A_362 = vector.shape_cast %parallel_loop3A_357 : vector<16xf32> to vector<1x16xf32>
      tpu.vector_store %arg8[%parallel_loop3A_358, %parallel_loop3A_359], %parallel_loop3A_362 {strides = array<i32>} : memref<512x64xf32, #tpu.memory_space<vmem>>, vector<1x16xf32>,
      %parallel_loop3A_363 = arith.index_cast %parallel_loop3A_348 : i32 to index
      %parallel_loop3A_364 = arith.constant 16 : index
      %parallel_loop3A_365 = tpu.vector_load %arg8[%parallel_loop3A_363, %parallel_loop3A_364] {strides = array<i32>} : memref<512x64xf32, #tpu.memory_space<vmem>>, vector<1x16xf32>,
      %parallel_loop3A_366 = vector.shape_cast %parallel_loop3A_365 : vector<1x16xf32> to vector<16xf32>
      %parallel_loop3A_367 = arith.index_cast %parallel_loop3A_348 : i32 to index
      %parallel_loop3A_368 = arith.constant 16 : index
      %parallel_loop3A_369 = tpu.vector_load %arg9[%parallel_loop3A_367, %parallel_loop3A_368] {strides = array<i32>} : memref<512x64xf32, #tpu.memory_space<vmem>>, vector<1x16xf32>,
      %parallel_loop3A_370 = vector.shape_cast %parallel_loop3A_369 : vector<1x16xf32> to vector<16xf32>
      %parallel_loop3A_371 = arith.mulf %parallel_loop3A_366, %parallel_loop3A_370 : vector<16xf32>
      %parallel_loop3A_372 = arith.index_cast %parallel_loop3A_348 : i32 to index
      %parallel_loop3A_373 = arith.constant 16 : index
      %parallel_loop3A_374 = tpu.vector_load %arg8[%parallel_loop3A_372, %parallel_loop3A_373] {strides = array<i32>} : memref<512x64xf32, #tpu.memory_space<vmem>>, vector<1x16xf32>,
      %parallel_loop3A_375 = vector.shape_cast %parallel_loop3A_374 : vector<1x16xf32> to vector<16xf32>
      %parallel_loop3A_376 = vector.shape_cast %parallel_loop3A_371 : vector<16xf32> to vector<1x16xf32>
      tpu.vector_store %arg8[%parallel_loop3A_372, %parallel_loop3A_373], %parallel_loop3A_376 {strides = array<i32>} : memref<512x64xf32, #tpu.memory_space<vmem>>, vector<1x16xf32>,
      %parallel_loop3A_377 = arith.index_cast %parallel_loop3A_348 : i32 to index
      %parallel_loop3A_378 = arith.constant 32 : index
      %parallel_loop3A_379 = tpu.vector_load %arg8[%parallel_loop3A_377, %parallel_loop3A_378] {strides = array<i32>} : memref<512x64xf32, #tpu.memory_space<vmem>>, vector<1x16xf32>,
      %parallel_loop3A_380 = vector.shape_cast %parallel_loop3A_379 : vector<1x16xf32> to vector<16xf32>
      %parallel_loop3A_381 = arith.index_cast %parallel_loop3A_348 : i32 to index
      %parallel_loop3A_382 = arith.constant 32 : index
      %parallel_loop3A_383 = tpu.vector_load %arg9[%parallel_loop3A_381, %parallel_loop3A_382] {strides = array<i32>} : memref<512x64xf32, #tpu.memory_space<vmem>>, vector<1x16xf32>,
      %parallel_loop3A_384 = vector.shape_cast %parallel_loop3A_383 : vector<1x16xf32> to vector<16xf32>
      %parallel_loop3A_385 = arith.mulf %parallel_loop3A_380, %parallel_loop3A_384 : vector<16xf32>
      %parallel_loop3A_386 = arith.index_cast %parallel_loop3A_348 : i32 to index
      %parallel_loop3A_387 = arith.constant 32 : index
      %parallel_loop3A_388 = tpu.vector_load %arg8[%parallel_loop3A_386, %parallel_loop3A_387] {strides = array<i32>} : memref<512x64xf32, #tpu.memory_space<vmem>>, vector<1x16xf32>,
      %parallel_loop3A_389 = vector.shape_cast %parallel_loop3A_388 : vector<1x16xf32> to vector<16xf32>
      %parallel_loop3A_390 = vector.shape_cast %parallel_loop3A_385 : vector<16xf32> to vector<1x16xf32>
      tpu.vector_store %arg8[%parallel_loop3A_386, %parallel_loop3A_387], %parallel_loop3A_390 {strides = array<i32>} : memref<512x64xf32, #tpu.memory_space<vmem>>, vector<1x16xf32>,
      %parallel_loop3A_391 = arith.index_cast %parallel_loop3A_348 : i32 to index
      %parallel_loop3A_392 = arith.constant 48 : index
      %parallel_loop3A_393 = tpu.vector_load %arg8[%parallel_loop3A_391, %parallel_loop3A_392] {strides = array<i32>} : memref<512x64xf32, #tpu.memory_space<vmem>>, vector<1x16xf32>,
      %parallel_loop3A_394 = vector.shape_cast %parallel_loop3A_393 : vector<1x16xf32> to vector<16xf32>
      %parallel_loop3A_395 = arith.index_cast %parallel_loop3A_348 : i32 to index
      %parallel_loop3A_396 = arith.constant 48 : index
      %parallel_loop3A_397 = tpu.vector_load %arg9[%parallel_loop3A_395, %parallel_loop3A_396] {strides = array<i32>} : memref<512x64xf32, #tpu.memory_space<vmem>>, vector<1x16xf32>,
      %parallel_loop3A_398 = vector.shape_cast %parallel_loop3A_397 : vector<1x16xf32> to vector<16xf32>
      %parallel_loop3A_399 = arith.mulf %parallel_loop3A_394, %parallel_loop3A_398 : vector<16xf32>
      %parallel_loop3A_400 = arith.index_cast %parallel_loop3A_348 : i32 to index
      %parallel_loop3A_401 = arith.constant 48 : index
      %parallel_loop3A_402 = tpu.vector_load %arg8[%parallel_loop3A_400, %parallel_loop3A_401] {strides = array<i32>} : memref<512x64xf32, #tpu.memory_space<vmem>>, vector<1x16xf32>,
      %parallel_loop3A_403 = vector.shape_cast %parallel_loop3A_402 : vector<1x16xf32> to vector<16xf32>
      %parallel_loop3A_404 = vector.shape_cast %parallel_loop3A_399 : vector<16xf32> to vector<1x16xf32>
      tpu.vector_store %arg8[%parallel_loop3A_400, %parallel_loop3A_401], %parallel_loop3A_404 {strides = array<i32>} : memref<512x64xf32, #tpu.memory_space<vmem>>, vector<1x16xf32>,
    } {sc.loop_unroll_factor = 4 : i64, sc.parallel_access}
    %dma_start3A_113 = arith.constant 0 : i32
    %dma_start3A_114 = arith.constant 0 : i32
    %dma_start3A_115 = tpu.memref_slice %arg8[%dma_start3A_113, %dma_start3A_114] : memref<512x64xf32, #tpu.memory_space<vmem>> -> memref<128x64xf32, #tpu.memory_space<vmem>>
    %dma_start3A_116 = arith.constant 0 : i32
    %dma_start3A_117 = arith.constant 0 : i32
    %dma_start3A_118 = tpu.memref_slice %arg5[%add3A, %dma_start3A_116, %dma_start3A_117] : memref<32x512x64xf32, #tpu.memory_space<hbm>> -> memref<1x512x64xf32, #tpu.memory_space<hbm>>
    %dma_start3A_119 = tpu.memref_squeeze %dma_start3A_118 : memref<1x512x64xf32, #tpu.memory_space<hbm>> -> memref<512x64xf32, #tpu.memory_space<hbm>>
    %dma_start3A_120 = arith.constant 0 : i32
    %dma_start3A_121 = arith.constant 0 : i32
    %dma_start3A_122 = tpu.memref_slice %dma_start3A_119[%dma_start3A_120, %dma_start3A_121] : memref<512x64xf32, #tpu.memory_space<hbm>> -> memref<128x64xf32, #tpu.memory_space<hbm>>
    %dma_start3A_123 = arith.constant 0 : i32
    %dma_start3A_124 = arith.constant 0 : i32
    %dma_start3A_125 = tpu.memref_slice %arg5[%add3A, %dma_start3A_123, %dma_start3A_124] : memref<32x512x64xf32, #tpu.memory_space<hbm>> -> memref<1x512x64xf32, #tpu.memory_space<hbm>>
    %dma_start3A_126 = tpu.memref_squeeze %dma_start3A_125 : memref<1x512x64xf32, #tpu.memory_space<hbm>> -> memref<512x64xf32, #tpu.memory_space<hbm>>
    %dma_start3A_127 = arith.constant 0 : i32
    %dma_start3A_128 = arith.constant 0 : i32
    %dma_start3A_129 = tpu.memref_slice %dma_start3A_126[%dma_start3A_127, %dma_start3A_128] : memref<512x64xf32, #tpu.memory_space<hbm>> -> memref<128x64xf32, #tpu.memory_space<hbm>>
    %dma_start3A_130 = arith.constant 0 : i32
    %dma_start3A_131 = arith.constant 0 : i32
    %dma_start3A_132 = tpu.memref_slice %arg8[%dma_start3A_130, %dma_start3A_131] : memref<512x64xf32, #tpu.memory_space<vmem>> -> memref<128x64xf32, #tpu.memory_space<vmem>>
    tpu.enqueue_dma source(%dma_start3A_132 : memref<128x64xf32, #tpu.memory_space<vmem>>) target(%dma_start3A_129 : memref<128x64xf32, #tpu.memory_space<hbm>>) target_semaphore(%arg12 : memref<!tpu.dma_semaphore, #tpu.memory_space<semaphore_mem>>)
    %dma_wait3A_133 = arith.constant 1 : i32
    %dma_wait3A_134 = arith.constant 128 : i32
    %dma_wait3A_135 = arith.constant 0 : i32
    %dma_wait3A_136 = tpu.memref_slice %arg8[%dma_wait3A_134, %dma_wait3A_135] : memref<512x64xf32, #tpu.memory_space<vmem>> -> memref<128x64xf32, #tpu.memory_space<vmem>>
    %dma_wait3A_137 = arith.constant 128 : i32
    %dma_wait3A_138 = tpu.memref_slice %arg6[%dma_wait3A_137] : memref<512xi32, #tpu.memory_space<vmem>> -> memref<128xi32, #tpu.memory_space<vmem>>
    %dma_wait3A_139 = arith.constant 0 : i32
    %dma_wait3A_140 = arith.constant 0 : i32
    %dma_wait3A_141 = tpu.memref_slice %arg2[%dma_wait3A_139, %dma_wait3A_140] : memref<100000x64xf32, #tpu.memory_space<hbm>> -> memref<100000x64xf32, #tpu.memory_space<hbm>>
    %dma_wait3A_142 = tpu.memref_slice %arg10[%dma_wait3A_133] : memref<4x!tpu.dma_semaphore, #tpu.memory_space<semaphore_mem>> -> memref<1x!tpu.dma_semaphore, #tpu.memory_space<semaphore_mem>>
    %dma_wait3A_143 = tpu.memref_squeeze %dma_wait3A_142 : memref<1x!tpu.dma_semaphore, #tpu.memory_space<semaphore_mem>> -> memref<!tpu.dma_semaphore, #tpu.memory_space<semaphore_mem>>
    tpu.wait_indirect_dma semaphore(%dma_wait3A_143 : memref<!tpu.dma_semaphore, #tpu.memory_space<semaphore_mem>>) src(%dma_wait3A_141 : memref<100000x64xf32, #tpu.memory_space<hbm>>) dst(%dma_wait3A_136 : memref<128x64xf32, #tpu.memory_space<vmem>>)
    %dma_wait3A_144 = arith.constant 1 : i32
    %dma_wait3A_145 = arith.constant 128 : i32
    %dma_wait3A_146 = arith.constant 0 : i32
    %dma_wait3A_147 = tpu.memref_slice %arg9[%dma_wait3A_145, %dma_wait3A_146] : memref<512x64xf32, #tpu.memory_space<vmem>> -> memref<128x64xf32, #tpu.memory_space<vmem>>
    %dma_wait3A_148 = arith.constant 128 : i32
    %dma_wait3A_149 = tpu.memref_slice %arg7[%dma_wait3A_148] : memref<512xi32, #tpu.memory_space<vmem>> -> memref<128xi32, #tpu.memory_space<vmem>>
    %dma_wait3A_150 = arith.constant 0 : i32
    %dma_wait3A_151 = arith.constant 0 : i32
    %dma_wait3A_152 = tpu.memref_slice %arg2[%dma_wait3A_150, %dma_wait3A_151] : memref<100000x64xf32, #tpu.memory_space<hbm>> -> memref<100000x64xf32, #tpu.memory_space<hbm>>
    %dma_wait3A_153 = tpu.memref_slice %arg11[%dma_wait3A_144] : memref<4x!tpu.dma_semaphore, #tpu.memory_space<semaphore_mem>> -> memref<1x!tpu.dma_semaphore, #tpu.memory_space<semaphore_mem>>
    %dma_wait3A_154 = tpu.memref_squeeze %dma_wait3A_153 : memref<1x!tpu.dma_semaphore, #tpu.memory_space<semaphore_mem>> -> memref<!tpu.dma_semaphore, #tpu.memory_space<semaphore_mem>>
    tpu.wait_indirect_dma semaphore(%dma_wait3A_154 : memref<!tpu.dma_semaphore, #tpu.memory_space<semaphore_mem>>) src(%dma_wait3A_152 : memref<100000x64xf32, #tpu.memory_space<hbm>>) dst(%dma_wait3A_147 : memref<128x64xf32, #tpu.memory_space<vmem>>)
    %parallel_loop3A_155 = arith.constant 128 : i32
    %parallel_loop3A_156 = arith.constant 256 : i32
    %parallel_loop3A_157 = arith.constant 1 : i32
    scf.for %parallel_loop3A_348 = %parallel_loop3A_155 to %parallel_loop3A_156 step %parallel_loop3A_157  : i32 {
      %parallel_loop3A_349 = arith.index_cast %parallel_loop3A_348 : i32 to index
      %parallel_loop3A_350 = arith.constant 0 : index
      %parallel_loop3A_351 = tpu.vector_load %arg8[%parallel_loop3A_349, %parallel_loop3A_350] {strides = array<i32>} : memref<512x64xf32, #tpu.memory_space<vmem>>, vector<1x16xf32>,
      %parallel_loop3A_352 = vector.shape_cast %parallel_loop3A_351 : vector<1x16xf32> to vector<16xf32>
      %parallel_loop3A_353 = arith.index_cast %parallel_loop3A_348 : i32 to index
      %parallel_loop3A_354 = arith.constant 0 : index
      %parallel_loop3A_355 = tpu.vector_load %arg9[%parallel_loop3A_353, %parallel_loop3A_354] {strides = array<i32>} : memref<512x64xf32, #tpu.memory_space<vmem>>, vector<1x16xf32>,
      %parallel_loop3A_356 = vector.shape_cast %parallel_loop3A_355 : vector<1x16xf32> to vector<16xf32>
      %parallel_loop3A_357 = arith.mulf %parallel_loop3A_352, %parallel_loop3A_356 : vector<16xf32>
      %parallel_loop3A_358 = arith.index_cast %parallel_loop3A_348 : i32 to index
      %parallel_loop3A_359 = arith.constant 0 : index
      %parallel_loop3A_360 = tpu.vector_load %arg8[%parallel_loop3A_358, %parallel_loop3A_359] {strides = array<i32>} : memref<512x64xf32, #tpu.memory_space<vmem>>, vector<1x16xf32>,
      %parallel_loop3A_361 = vector.shape_cast %parallel_loop3A_360 : vector<1x16xf32> to vector<16xf32>
      %parallel_loop3A_362 = vector.shape_cast %parallel_loop3A_357 : vector<16xf32> to vector<1x16xf32>
      tpu.vector_store %arg8[%parallel_loop3A_358, %parallel_loop3A_359], %parallel_loop3A_362 {strides = array<i32>} : memref<512x64xf32, #tpu.memory_space<vmem>>, vector<1x16xf32>,
      %parallel_loop3A_363 = arith.index_cast %parallel_loop3A_348 : i32 to index
      %parallel_loop3A_364 = arith.constant 16 : index
      %parallel_loop3A_365 = tpu.vector_load %arg8[%parallel_loop3A_363, %parallel_loop3A_364] {strides = array<i32>} : memref<512x64xf32, #tpu.memory_space<vmem>>, vector<1x16xf32>,
      %parallel_loop3A_366 = vector.shape_cast %parallel_loop3A_365 : vector<1x16xf32> to vector<16xf32>
      %parallel_loop3A_367 = arith.index_cast %parallel_loop3A_348 : i32 to index
      %parallel_loop3A_368 = arith.constant 16 : index
      %parallel_loop3A_369 = tpu.vector_load %arg9[%parallel_loop3A_367, %parallel_loop3A_368] {strides = array<i32>} : memref<512x64xf32, #tpu.memory_space<vmem>>, vector<1x16xf32>,
      %parallel_loop3A_370 = vector.shape_cast %parallel_loop3A_369 : vector<1x16xf32> to vector<16xf32>
      %parallel_loop3A_371 = arith.mulf %parallel_loop3A_366, %parallel_loop3A_370 : vector<16xf32>
      %parallel_loop3A_372 = arith.index_cast %parallel_loop3A_348 : i32 to index
      %parallel_loop3A_373 = arith.constant 16 : index
      %parallel_loop3A_374 = tpu.vector_load %arg8[%parallel_loop3A_372, %parallel_loop3A_373] {strides = array<i32>} : memref<512x64xf32, #tpu.memory_space<vmem>>, vector<1x16xf32>,
      %parallel_loop3A_375 = vector.shape_cast %parallel_loop3A_374 : vector<1x16xf32> to vector<16xf32>
      %parallel_loop3A_376 = vector.shape_cast %parallel_loop3A_371 : vector<16xf32> to vector<1x16xf32>
      tpu.vector_store %arg8[%parallel_loop3A_372, %parallel_loop3A_373], %parallel_loop3A_376 {strides = array<i32>} : memref<512x64xf32, #tpu.memory_space<vmem>>, vector<1x16xf32>,
      %parallel_loop3A_377 = arith.index_cast %parallel_loop3A_348 : i32 to index
      %parallel_loop3A_378 = arith.constant 32 : index
      %parallel_loop3A_379 = tpu.vector_load %arg8[%parallel_loop3A_377, %parallel_loop3A_378] {strides = array<i32>} : memref<512x64xf32, #tpu.memory_space<vmem>>, vector<1x16xf32>,
      %parallel_loop3A_380 = vector.shape_cast %parallel_loop3A_379 : vector<1x16xf32> to vector<16xf32>
      %parallel_loop3A_381 = arith.index_cast %parallel_loop3A_348 : i32 to index
      %parallel_loop3A_382 = arith.constant 32 : index
      %parallel_loop3A_383 = tpu.vector_load %arg9[%parallel_loop3A_381, %parallel_loop3A_382] {strides = array<i32>} : memref<512x64xf32, #tpu.memory_space<vmem>>, vector<1x16xf32>,
      %parallel_loop3A_384 = vector.shape_cast %parallel_loop3A_383 : vector<1x16xf32> to vector<16xf32>
      %parallel_loop3A_385 = arith.mulf %parallel_loop3A_380, %parallel_loop3A_384 : vector<16xf32>
      %parallel_loop3A_386 = arith.index_cast %parallel_loop3A_348 : i32 to index
      %parallel_loop3A_387 = arith.constant 32 : index
      %parallel_loop3A_388 = tpu.vector_load %arg8[%parallel_loop3A_386, %parallel_loop3A_387] {strides = array<i32>} : memref<512x64xf32, #tpu.memory_space<vmem>>, vector<1x16xf32>,
      %parallel_loop3A_389 = vector.shape_cast %parallel_loop3A_388 : vector<1x16xf32> to vector<16xf32>
      %parallel_loop3A_390 = vector.shape_cast %parallel_loop3A_385 : vector<16xf32> to vector<1x16xf32>
      tpu.vector_store %arg8[%parallel_loop3A_386, %parallel_loop3A_387], %parallel_loop3A_390 {strides = array<i32>} : memref<512x64xf32, #tpu.memory_space<vmem>>, vector<1x16xf32>,
      %parallel_loop3A_391 = arith.index_cast %parallel_loop3A_348 : i32 to index
      %parallel_loop3A_392 = arith.constant 48 : index
      %parallel_loop3A_393 = tpu.vector_load %arg8[%parallel_loop3A_391, %parallel_loop3A_392] {strides = array<i32>} : memref<512x64xf32, #tpu.memory_space<vmem>>, vector<1x16xf32>,
      %parallel_loop3A_394 = vector.shape_cast %parallel_loop3A_393 : vector<1x16xf32> to vector<16xf32>
      %parallel_loop3A_395 = arith.index_cast %parallel_loop3A_348 : i32 to index
      %parallel_loop3A_396 = arith.constant 48 : index
      %parallel_loop3A_397 = tpu.vector_load %arg9[%parallel_loop3A_395, %parallel_loop3A_396] {strides = array<i32>} : memref<512x64xf32, #tpu.memory_space<vmem>>, vector<1x16xf32>,
      %parallel_loop3A_398 = vector.shape_cast %parallel_loop3A_397 : vector<1x16xf32> to vector<16xf32>
      %parallel_loop3A_399 = arith.mulf %parallel_loop3A_394, %parallel_loop3A_398 : vector<16xf32>
      %parallel_loop3A_400 = arith.index_cast %parallel_loop3A_348 : i32 to index
      %parallel_loop3A_401 = arith.constant 48 : index
      %parallel_loop3A_402 = tpu.vector_load %arg8[%parallel_loop3A_400, %parallel_loop3A_401] {strides = array<i32>} : memref<512x64xf32, #tpu.memory_space<vmem>>, vector<1x16xf32>,
      %parallel_loop3A_403 = vector.shape_cast %parallel_loop3A_402 : vector<1x16xf32> to vector<16xf32>
      %parallel_loop3A_404 = vector.shape_cast %parallel_loop3A_399 : vector<16xf32> to vector<1x16xf32>
      tpu.vector_store %arg8[%parallel_loop3A_400, %parallel_loop3A_401], %parallel_loop3A_404 {strides = array<i32>} : memref<512x64xf32, #tpu.memory_space<vmem>>, vector<1x16xf32>,
    } {sc.loop_unroll_factor = 4 : i64, sc.parallel_access}
    %dma_start3A_158 = arith.constant 128 : i32
    %dma_start3A_159 = arith.constant 0 : i32
    %dma_start3A_160 = tpu.memref_slice %arg8[%dma_start3A_158, %dma_start3A_159] : memref<512x64xf32, #tpu.memory_space<vmem>> -> memref<128x64xf32, #tpu.memory_space<vmem>>
    %dma_start3A_161 = arith.constant 0 : i32
    %dma_start3A_162 = arith.constant 0 : i32
    %dma_start3A_163 = tpu.memref_slice %arg5[%add3A, %dma_start3A_161, %dma_start3A_162] : memref<32x512x64xf32, #tpu.memory_space<hbm>> -> memref<1x512x64xf32, #tpu.memory_space<hbm>>
    %dma_start3A_164 = tpu.memref_squeeze %dma_start3A_163 : memref<1x512x64xf32, #tpu.memory_space<hbm>> -> memref<512x64xf32, #tpu.memory_space<hbm>>
    %dma_start3A_165 = arith.constant 128 : i32
    %dma_start3A_166 = arith.constant 0 : i32
    %dma_start3A_167 = tpu.memref_slice %dma_start3A_164[%dma_start3A_165, %dma_start3A_166] : memref<512x64xf32, #tpu.memory_space<hbm>> -> memref<128x64xf32, #tpu.memory_space<hbm>>
    %dma_start3A_168 = arith.constant 0 : i32
    %dma_start3A_169 = arith.constant 0 : i32
    %dma_start3A_170 = tpu.memref_slice %arg5[%add3A, %dma_start3A_168, %dma_start3A_169] : memref<32x512x64xf32, #tpu.memory_space<hbm>> -> memref<1x512x64xf32, #tpu.memory_space<hbm>>
    %dma_start3A_171 = tpu.memref_squeeze %dma_start3A_170 : memref<1x512x64xf32, #tpu.memory_space<hbm>> -> memref<512x64xf32, #tpu.memory_space<hbm>>
    %dma_start3A_172 = arith.constant 128 : i32
    %dma_start3A_173 = arith.constant 0 : i32
    %dma_start3A_174 = tpu.memref_slice %dma_start3A_171[%dma_start3A_172, %dma_start3A_173] : memref<512x64xf32, #tpu.memory_space<hbm>> -> memref<128x64xf32, #tpu.memory_space<hbm>>
    %dma_start3A_175 = arith.constant 128 : i32
    %dma_start3A_176 = arith.constant 0 : i32
    %dma_start3A_177 = tpu.memref_slice %arg8[%dma_start3A_175, %dma_start3A_176] : memref<512x64xf32, #tpu.memory_space<vmem>> -> memref<128x64xf32, #tpu.memory_space<vmem>>
    tpu.enqueue_dma source(%dma_start3A_177 : memref<128x64xf32, #tpu.memory_space<vmem>>) target(%dma_start3A_174 : memref<128x64xf32, #tpu.memory_space<hbm>>) target_semaphore(%arg12 : memref<!tpu.dma_semaphore, #tpu.memory_space<semaphore_mem>>)
    %dma_wait3A_178 = arith.constant 2 : i32
    %dma_wait3A_179 = arith.constant 256 : i32
    %dma_wait3A_180 = arith.constant 0 : i32
    %dma_wait3A_181 = tpu.memref_slice %arg8[%dma_wait3A_179, %dma_wait3A_180] : memref<512x64xf32, #tpu.memory_space<vmem>> -> memref<128x64xf32, #tpu.memory_space<vmem>>
    %dma_wait3A_182 = arith.constant 256 : i32
    %dma_wait3A_183 = tpu.memref_slice %arg6[%dma_wait3A_182] : memref<512xi32, #tpu.memory_space<vmem>> -> memref<128xi32, #tpu.memory_space<vmem>>
    %dma_wait3A_184 = arith.constant 0 : i32
    %dma_wait3A_185 = arith.constant 0 : i32
    %dma_wait3A_186 = tpu.memref_slice %arg2[%dma_wait3A_184, %dma_wait3A_185] : memref<100000x64xf32, #tpu.memory_space<hbm>> -> memref<100000x64xf32, #tpu.memory_space<hbm>>
    %dma_wait3A_187 = tpu.memref_slice %arg10[%dma_wait3A_178] : memref<4x!tpu.dma_semaphore, #tpu.memory_space<semaphore_mem>> -> memref<1x!tpu.dma_semaphore, #tpu.memory_space<semaphore_mem>>
    %dma_wait3A_188 = tpu.memref_squeeze %dma_wait3A_187 : memref<1x!tpu.dma_semaphore, #tpu.memory_space<semaphore_mem>> -> memref<!tpu.dma_semaphore, #tpu.memory_space<semaphore_mem>>
    tpu.wait_indirect_dma semaphore(%dma_wait3A_188 : memref<!tpu.dma_semaphore, #tpu.memory_space<semaphore_mem>>) src(%dma_wait3A_186 : memref<100000x64xf32, #tpu.memory_space<hbm>>) dst(%dma_wait3A_181 : memref<128x64xf32, #tpu.memory_space<vmem>>)
    %dma_wait3A_189 = arith.constant 2 : i32
    %dma_wait3A_190 = arith.constant 256 : i32
    %dma_wait3A_191 = arith.constant 0 : i32
    %dma_wait3A_192 = tpu.memref_slice %arg9[%dma_wait3A_190, %dma_wait3A_191] : memref<512x64xf32, #tpu.memory_space<vmem>> -> memref<128x64xf32, #tpu.memory_space<vmem>>
    %dma_wait3A_193 = arith.constant 256 : i32
    %dma_wait3A_194 = tpu.memref_slice %arg7[%dma_wait3A_193] : memref<512xi32, #tpu.memory_space<vmem>> -> memref<128xi32, #tpu.memory_space<vmem>>
    %dma_wait3A_195 = arith.constant 0 : i32
    %dma_wait3A_196 = arith.constant 0 : i32
    %dma_wait3A_197 = tpu.memref_slice %arg2[%dma_wait3A_195, %dma_wait3A_196] : memref<100000x64xf32, #tpu.memory_space<hbm>> -> memref<100000x64xf32, #tpu.memory_space<hbm>>
    %dma_wait3A_198 = tpu.memref_slice %arg11[%dma_wait3A_189] : memref<4x!tpu.dma_semaphore, #tpu.memory_space<semaphore_mem>> -> memref<1x!tpu.dma_semaphore, #tpu.memory_space<semaphore_mem>>
    %dma_wait3A_199 = tpu.memref_squeeze %dma_wait3A_198 : memref<1x!tpu.dma_semaphore, #tpu.memory_space<semaphore_mem>> -> memref<!tpu.dma_semaphore, #tpu.memory_space<semaphore_mem>>
    tpu.wait_indirect_dma semaphore(%dma_wait3A_199 : memref<!tpu.dma_semaphore, #tpu.memory_space<semaphore_mem>>) src(%dma_wait3A_197 : memref<100000x64xf32, #tpu.memory_space<hbm>>) dst(%dma_wait3A_192 : memref<128x64xf32, #tpu.memory_space<vmem>>)
    %parallel_loop3A_200 = arith.constant 256 : i32
    %parallel_loop3A_201 = arith.constant 384 : i32
    %parallel_loop3A_202 = arith.constant 1 : i32
    scf.for %parallel_loop3A_348 = %parallel_loop3A_200 to %parallel_loop3A_201 step %parallel_loop3A_202  : i32 {
      %parallel_loop3A_349 = arith.index_cast %parallel_loop3A_348 : i32 to index
      %parallel_loop3A_350 = arith.constant 0 : index
      %parallel_loop3A_351 = tpu.vector_load %arg8[%parallel_loop3A_349, %parallel_loop3A_350] {strides = array<i32>} : memref<512x64xf32, #tpu.memory_space<vmem>>, vector<1x16xf32>,
      %parallel_loop3A_352 = vector.shape_cast %parallel_loop3A_351 : vector<1x16xf32> to vector<16xf32>
      %parallel_loop3A_353 = arith.index_cast %parallel_loop3A_348 : i32 to index
      %parallel_loop3A_354 = arith.constant 0 : index
      %parallel_loop3A_355 = tpu.vector_load %arg9[%parallel_loop3A_353, %parallel_loop3A_354] {strides = array<i32>} : memref<512x64xf32, #tpu.memory_space<vmem>>, vector<1x16xf32>,
      %parallel_loop3A_356 = vector.shape_cast %parallel_loop3A_355 : vector<1x16xf32> to vector<16xf32>
      %parallel_loop3A_357 = arith.mulf %parallel_loop3A_352, %parallel_loop3A_356 : vector<16xf32>
      %parallel_loop3A_358 = arith.index_cast %parallel_loop3A_348 : i32 to index
      %parallel_loop3A_359 = arith.constant 0 : index
      %parallel_loop3A_360 = tpu.vector_load %arg8[%parallel_loop3A_358, %parallel_loop3A_359] {strides = array<i32>} : memref<512x64xf32, #tpu.memory_space<vmem>>, vector<1x16xf32>,
      %parallel_loop3A_361 = vector.shape_cast %parallel_loop3A_360 : vector<1x16xf32> to vector<16xf32>
      %parallel_loop3A_362 = vector.shape_cast %parallel_loop3A_357 : vector<16xf32> to vector<1x16xf32>
      tpu.vector_store %arg8[%parallel_loop3A_358, %parallel_loop3A_359], %parallel_loop3A_362 {strides = array<i32>} : memref<512x64xf32, #tpu.memory_space<vmem>>, vector<1x16xf32>,
      %parallel_loop3A_363 = arith.index_cast %parallel_loop3A_348 : i32 to index
      %parallel_loop3A_364 = arith.constant 16 : index
      %parallel_loop3A_365 = tpu.vector_load %arg8[%parallel_loop3A_363, %parallel_loop3A_364] {strides = array<i32>} : memref<512x64xf32, #tpu.memory_space<vmem>>, vector<1x16xf32>,
      %parallel_loop3A_366 = vector.shape_cast %parallel_loop3A_365 : vector<1x16xf32> to vector<16xf32>
      %parallel_loop3A_367 = arith.index_cast %parallel_loop3A_348 : i32 to index
      %parallel_loop3A_368 = arith.constant 16 : index
      %parallel_loop3A_369 = tpu.vector_load %arg9[%parallel_loop3A_367, %parallel_loop3A_368] {strides = array<i32>} : memref<512x64xf32, #tpu.memory_space<vmem>>, vector<1x16xf32>,
      %parallel_loop3A_370 = vector.shape_cast %parallel_loop3A_369 : vector<1x16xf32> to vector<16xf32>
      %parallel_loop3A_371 = arith.mulf %parallel_loop3A_366, %parallel_loop3A_370 : vector<16xf32>
      %parallel_loop3A_372 = arith.index_cast %parallel_loop3A_348 : i32 to index
      %parallel_loop3A_373 = arith.constant 16 : index
      %parallel_loop3A_374 = tpu.vector_load %arg8[%parallel_loop3A_372, %parallel_loop3A_373] {strides = array<i32>} : memref<512x64xf32, #tpu.memory_space<vmem>>, vector<1x16xf32>,
      %parallel_loop3A_375 = vector.shape_cast %parallel_loop3A_374 : vector<1x16xf32> to vector<16xf32>
      %parallel_loop3A_376 = vector.shape_cast %parallel_loop3A_371 : vector<16xf32> to vector<1x16xf32>
      tpu.vector_store %arg8[%parallel_loop3A_372, %parallel_loop3A_373], %parallel_loop3A_376 {strides = array<i32>} : memref<512x64xf32, #tpu.memory_space<vmem>>, vector<1x16xf32>,
      %parallel_loop3A_377 = arith.index_cast %parallel_loop3A_348 : i32 to index
      %parallel_loop3A_378 = arith.constant 32 : index
      %parallel_loop3A_379 = tpu.vector_load %arg8[%parallel_loop3A_377, %parallel_loop3A_378] {strides = array<i32>} : memref<512x64xf32, #tpu.memory_space<vmem>>, vector<1x16xf32>,
      %parallel_loop3A_380 = vector.shape_cast %parallel_loop3A_379 : vector<1x16xf32> to vector<16xf32>
      %parallel_loop3A_381 = arith.index_cast %parallel_loop3A_348 : i32 to index
      %parallel_loop3A_382 = arith.constant 32 : index
      %parallel_loop3A_383 = tpu.vector_load %arg9[%parallel_loop3A_381, %parallel_loop3A_382] {strides = array<i32>} : memref<512x64xf32, #tpu.memory_space<vmem>>, vector<1x16xf32>,
      %parallel_loop3A_384 = vector.shape_cast %parallel_loop3A_383 : vector<1x16xf32> to vector<16xf32>
      %parallel_loop3A_385 = arith.mulf %parallel_loop3A_380, %parallel_loop3A_384 : vector<16xf32>
      %parallel_loop3A_386 = arith.index_cast %parallel_loop3A_348 : i32 to index
      %parallel_loop3A_387 = arith.constant 32 : index
      %parallel_loop3A_388 = tpu.vector_load %arg8[%parallel_loop3A_386, %parallel_loop3A_387] {strides = array<i32>} : memref<512x64xf32, #tpu.memory_space<vmem>>, vector<1x16xf32>,
      %parallel_loop3A_389 = vector.shape_cast %parallel_loop3A_388 : vector<1x16xf32> to vector<16xf32>
      %parallel_loop3A_390 = vector.shape_cast %parallel_loop3A_385 : vector<16xf32> to vector<1x16xf32>
      tpu.vector_store %arg8[%parallel_loop3A_386, %parallel_loop3A_387], %parallel_loop3A_390 {strides = array<i32>} : memref<512x64xf32, #tpu.memory_space<vmem>>, vector<1x16xf32>,
      %parallel_loop3A_391 = arith.index_cast %parallel_loop3A_348 : i32 to index
      %parallel_loop3A_392 = arith.constant 48 : index
      %parallel_loop3A_393 = tpu.vector_load %arg8[%parallel_loop3A_391, %parallel_loop3A_392] {strides = array<i32>} : memref<512x64xf32, #tpu.memory_space<vmem>>, vector<1x16xf32>,
      %parallel_loop3A_394 = vector.shape_cast %parallel_loop3A_393 : vector<1x16xf32> to vector<16xf32>
      %parallel_loop3A_395 = arith.index_cast %parallel_loop3A_348 : i32 to index
      %parallel_loop3A_396 = arith.constant 48 : index
      %parallel_loop3A_397 = tpu.vector_load %arg9[%parallel_loop3A_395, %parallel_loop3A_396] {strides = array<i32>} : memref<512x64xf32, #tpu.memory_space<vmem>>, vector<1x16xf32>,
      %parallel_loop3A_398 = vector.shape_cast %parallel_loop3A_397 : vector<1x16xf32> to vector<16xf32>
      %parallel_loop3A_399 = arith.mulf %parallel_loop3A_394, %parallel_loop3A_398 : vector<16xf32>
      %parallel_loop3A_400 = arith.index_cast %parallel_loop3A_348 : i32 to index
      %parallel_loop3A_401 = arith.constant 48 : index
      %parallel_loop3A_402 = tpu.vector_load %arg8[%parallel_loop3A_400, %parallel_loop3A_401] {strides = array<i32>} : memref<512x64xf32, #tpu.memory_space<vmem>>, vector<1x16xf32>,
      %parallel_loop3A_403 = vector.shape_cast %parallel_loop3A_402 : vector<1x16xf32> to vector<16xf32>
      %parallel_loop3A_404 = vector.shape_cast %parallel_loop3A_399 : vector<16xf32> to vector<1x16xf32>
      tpu.vector_store %arg8[%parallel_loop3A_400, %parallel_loop3A_401], %parallel_loop3A_404 {strides = array<i32>} : memref<512x64xf32, #tpu.memory_space<vmem>>, vector<1x16xf32>,
    } {sc.loop_unroll_factor = 4 : i64, sc.parallel_access}
    %dma_start3A_203 = arith.constant 256 : i32
    %dma_start3A_204 = arith.constant 0 : i32
    %dma_start3A_205 = tpu.memref_slice %arg8[%dma_start3A_203, %dma_start3A_204] : memref<512x64xf32, #tpu.memory_space<vmem>> -> memref<128x64xf32, #tpu.memory_space<vmem>>
    %dma_start3A_206 = arith.constant 0 : i32
    %dma_start3A_207 = arith.constant 0 : i32
    %dma_start3A_208 = tpu.memref_slice %arg5[%add3A, %dma_start3A_206, %dma_start3A_207] : memref<32x512x64xf32, #tpu.memory_space<hbm>> -> memref<1x512x64xf32, #tpu.memory_space<hbm>>
    %dma_start3A_209 = tpu.memref_squeeze %dma_start3A_208 : memref<1x512x64xf32, #tpu.memory_space<hbm>> -> memref<512x64xf32, #tpu.memory_space<hbm>>
    %dma_start3A_210 = arith.constant 256 : i32
    %dma_start3A_211 = arith.constant 0 : i32
    %dma_start3A_212 = tpu.memref_slice %dma_start3A_209[%dma_start3A_210, %dma_start3A_211] : memref<512x64xf32, #tpu.memory_space<hbm>> -> memref<128x64xf32, #tpu.memory_space<hbm>>
    %dma_start3A_213 = arith.constant 0 : i32
    %dma_start3A_214 = arith.constant 0 : i32
    %dma_start3A_215 = tpu.memref_slice %arg5[%add3A, %dma_start3A_213, %dma_start3A_214] : memref<32x512x64xf32, #tpu.memory_space<hbm>> -> memref<1x512x64xf32, #tpu.memory_space<hbm>>
    %dma_start3A_216 = tpu.memref_squeeze %dma_start3A_215 : memref<1x512x64xf32, #tpu.memory_space<hbm>> -> memref<512x64xf32, #tpu.memory_space<hbm>>
    %dma_start3A_217 = arith.constant 256 : i32
    %dma_start3A_218 = arith.constant 0 : i32
    %dma_start3A_219 = tpu.memref_slice %dma_start3A_216[%dma_start3A_217, %dma_start3A_218] : memref<512x64xf32, #tpu.memory_space<hbm>> -> memref<128x64xf32, #tpu.memory_space<hbm>>
    %dma_start3A_220 = arith.constant 256 : i32
    %dma_start3A_221 = arith.constant 0 : i32
    %dma_start3A_222 = tpu.memref_slice %arg8[%dma_start3A_220, %dma_start3A_221] : memref<512x64xf32, #tpu.memory_space<vmem>> -> memref<128x64xf32, #tpu.memory_space<vmem>>
    tpu.enqueue_dma source(%dma_start3A_222 : memref<128x64xf32, #tpu.memory_space<vmem>>) target(%dma_start3A_219 : memref<128x64xf32, #tpu.memory_space<hbm>>) target_semaphore(%arg12 : memref<!tpu.dma_semaphore, #tpu.memory_space<semaphore_mem>>)
    %dma_wait3A_223 = arith.constant 3 : i32
    %dma_wait3A_224 = arith.constant 384 : i32
    %dma_wait3A_225 = arith.constant 0 : i32
    %dma_wait3A_226 = tpu.memref_slice %arg8[%dma_wait3A_224, %dma_wait3A_225] : memref<512x64xf32, #tpu.memory_space<vmem>> -> memref<128x64xf32, #tpu.memory_space<vmem>>
    %dma_wait3A_227 = arith.constant 384 : i32
    %dma_wait3A_228 = tpu.memref_slice %arg6[%dma_wait3A_227] : memref<512xi32, #tpu.memory_space<vmem>> -> memref<128xi32, #tpu.memory_space<vmem>>
    %dma_wait3A_229 = arith.constant 0 : i32
    %dma_wait3A_230 = arith.constant 0 : i32
    %dma_wait3A_231 = tpu.memref_slice %arg2[%dma_wait3A_229, %dma_wait3A_230] : memref<100000x64xf32, #tpu.memory_space<hbm>> -> memref<100000x64xf32, #tpu.memory_space<hbm>>
    %dma_wait3A_232 = tpu.memref_slice %arg10[%dma_wait3A_223] : memref<4x!tpu.dma_semaphore, #tpu.memory_space<semaphore_mem>> -> memref<1x!tpu.dma_semaphore, #tpu.memory_space<semaphore_mem>>
    %dma_wait3A_233 = tpu.memref_squeeze %dma_wait3A_232 : memref<1x!tpu.dma_semaphore, #tpu.memory_space<semaphore_mem>> -> memref<!tpu.dma_semaphore, #tpu.memory_space<semaphore_mem>>
    tpu.wait_indirect_dma semaphore(%dma_wait3A_233 : memref<!tpu.dma_semaphore, #tpu.memory_space<semaphore_mem>>) src(%dma_wait3A_231 : memref<100000x64xf32, #tpu.memory_space<hbm>>) dst(%dma_wait3A_226 : memref<128x64xf32, #tpu.memory_space<vmem>>)
    %dma_wait3A_234 = arith.constant 3 : i32
    %dma_wait3A_235 = arith.constant 384 : i32
    %dma_wait3A_236 = arith.constant 0 : i32
    %dma_wait3A_237 = tpu.memref_slice %arg9[%dma_wait3A_235, %dma_wait3A_236] : memref<512x64xf32, #tpu.memory_space<vmem>> -> memref<128x64xf32, #tpu.memory_space<vmem>>
    %dma_wait3A_238 = arith.constant 384 : i32
    %dma_wait3A_239 = tpu.memref_slice %arg7[%dma_wait3A_238] : memref<512xi32, #tpu.memory_space<vmem>> -> memref<128xi32, #tpu.memory_space<vmem>>
    %dma_wait3A_240 = arith.constant 0 : i32
    %dma_wait3A_241 = arith.constant 0 : i32
    %dma_wait3A_242 = tpu.memref_slice %arg2[%dma_wait3A_240, %dma_wait3A_241] : memref<100000x64xf32, #tpu.memory_space<hbm>> -> memref<100000x64xf32, #tpu.memory_space<hbm>>
    %dma_wait3A_243 = tpu.memref_slice %arg11[%dma_wait3A_234] : memref<4x!tpu.dma_semaphore, #tpu.memory_space<semaphore_mem>> -> memref<1x!tpu.dma_semaphore, #tpu.memory_space<semaphore_mem>>
    %dma_wait3A_244 = tpu.memref_squeeze %dma_wait3A_243 : memref<1x!tpu.dma_semaphore, #tpu.memory_space<semaphore_mem>> -> memref<!tpu.dma_semaphore, #tpu.memory_space<semaphore_mem>>
    tpu.wait_indirect_dma semaphore(%dma_wait3A_244 : memref<!tpu.dma_semaphore, #tpu.memory_space<semaphore_mem>>) src(%dma_wait3A_242 : memref<100000x64xf32, #tpu.memory_space<hbm>>) dst(%dma_wait3A_237 : memref<128x64xf32, #tpu.memory_space<vmem>>)
    %parallel_loop3A_245 = arith.constant 384 : i32
    %parallel_loop3A_246 = arith.constant 512 : i32
    %parallel_loop3A_247 = arith.constant 1 : i32
    scf.for %parallel_loop3A_348 = %parallel_loop3A_245 to %parallel_loop3A_246 step %parallel_loop3A_247  : i32 {
      %parallel_loop3A_349 = arith.index_cast %parallel_loop3A_348 : i32 to index
      %parallel_loop3A_350 = arith.constant 0 : index
      %parallel_loop3A_351 = tpu.vector_load %arg8[%parallel_loop3A_349, %parallel_loop3A_350] {strides = array<i32>} : memref<512x64xf32, #tpu.memory_space<vmem>>, vector<1x16xf32>,
      %parallel_loop3A_352 = vector.shape_cast %parallel_loop3A_351 : vector<1x16xf32> to vector<16xf32>
      %parallel_loop3A_353 = arith.index_cast %parallel_loop3A_348 : i32 to index
      %parallel_loop3A_354 = arith.constant 0 : index
      %parallel_loop3A_355 = tpu.vector_load %arg9[%parallel_loop3A_353, %parallel_loop3A_354] {strides = array<i32>} : memref<512x64xf32, #tpu.memory_space<vmem>>, vector<1x16xf32>,
      %parallel_loop3A_356 = vector.shape_cast %parallel_loop3A_355 : vector<1x16xf32> to vector<16xf32>
      %parallel_loop3A_357 = arith.mulf %parallel_loop3A_352, %parallel_loop3A_356 : vector<16xf32>
      %parallel_loop3A_358 = arith.index_cast %parallel_loop3A_348 : i32 to index
      %parallel_loop3A_359 = arith.constant 0 : index
      %parallel_loop3A_360 = tpu.vector_load %arg8[%parallel_loop3A_358, %parallel_loop3A_359] {strides = array<i32>} : memref<512x64xf32, #tpu.memory_space<vmem>>, vector<1x16xf32>,
      %parallel_loop3A_361 = vector.shape_cast %parallel_loop3A_360 : vector<1x16xf32> to vector<16xf32>
      %parallel_loop3A_362 = vector.shape_cast %parallel_loop3A_357 : vector<16xf32> to vector<1x16xf32>
      tpu.vector_store %arg8[%parallel_loop3A_358, %parallel_loop3A_359], %parallel_loop3A_362 {strides = array<i32>} : memref<512x64xf32, #tpu.memory_space<vmem>>, vector<1x16xf32>,
      %parallel_loop3A_363 = arith.index_cast %parallel_loop3A_348 : i32 to index
      %parallel_loop3A_364 = arith.constant 16 : index
      %parallel_loop3A_365 = tpu.vector_load %arg8[%parallel_loop3A_363, %parallel_loop3A_364] {strides = array<i32>} : memref<512x64xf32, #tpu.memory_space<vmem>>, vector<1x16xf32>,
      %parallel_loop3A_366 = vector.shape_cast %parallel_loop3A_365 : vector<1x16xf32> to vector<16xf32>
      %parallel_loop3A_367 = arith.index_cast %parallel_loop3A_348 : i32 to index
      %parallel_loop3A_368 = arith.constant 16 : index
      %parallel_loop3A_369 = tpu.vector_load %arg9[%parallel_loop3A_367, %parallel_loop3A_368] {strides = array<i32>} : memref<512x64xf32, #tpu.memory_space<vmem>>, vector<1x16xf32>,
      %parallel_loop3A_370 = vector.shape_cast %parallel_loop3A_369 : vector<1x16xf32> to vector<16xf32>
      %parallel_loop3A_371 = arith.mulf %parallel_loop3A_366, %parallel_loop3A_370 : vector<16xf32>
      %parallel_loop3A_372 = arith.index_cast %parallel_loop3A_348 : i32 to index
      %parallel_loop3A_373 = arith.constant 16 : index
      %parallel_loop3A_374 = tpu.vector_load %arg8[%parallel_loop3A_372, %parallel_loop3A_373] {strides = array<i32>} : memref<512x64xf32, #tpu.memory_space<vmem>>, vector<1x16xf32>,
      %parallel_loop3A_375 = vector.shape_cast %parallel_loop3A_374 : vector<1x16xf32> to vector<16xf32>
      %parallel_loop3A_376 = vector.shape_cast %parallel_loop3A_371 : vector<16xf32> to vector<1x16xf32>
      tpu.vector_store %arg8[%parallel_loop3A_372, %parallel_loop3A_373], %parallel_loop3A_376 {strides = array<i32>} : memref<512x64xf32, #tpu.memory_space<vmem>>, vector<1x16xf32>,
      %parallel_loop3A_377 = arith.index_cast %parallel_loop3A_348 : i32 to index
      %parallel_loop3A_378 = arith.constant 32 : index
      %parallel_loop3A_379 = tpu.vector_load %arg8[%parallel_loop3A_377, %parallel_loop3A_378] {strides = array<i32>} : memref<512x64xf32, #tpu.memory_space<vmem>>, vector<1x16xf32>,
      %parallel_loop3A_380 = vector.shape_cast %parallel_loop3A_379 : vector<1x16xf32> to vector<16xf32>
      %parallel_loop3A_381 = arith.index_cast %parallel_loop3A_348 : i32 to index
      %parallel_loop3A_382 = arith.constant 32 : index
      %parallel_loop3A_383 = tpu.vector_load %arg9[%parallel_loop3A_381, %parallel_loop3A_382] {strides = array<i32>} : memref<512x64xf32, #tpu.memory_space<vmem>>, vector<1x16xf32>,
      %parallel_loop3A_384 = vector.shape_cast %parallel_loop3A_383 : vector<1x16xf32> to vector<16xf32>
      %parallel_loop3A_385 = arith.mulf %parallel_loop3A_380, %parallel_loop3A_384 : vector<16xf32>
      %parallel_loop3A_386 = arith.index_cast %parallel_loop3A_348 : i32 to index
      %parallel_loop3A_387 = arith.constant 32 : index
      %parallel_loop3A_388 = tpu.vector_load %arg8[%parallel_loop3A_386, %parallel_loop3A_387] {strides = array<i32>} : memref<512x64xf32, #tpu.memory_space<vmem>>, vector<1x16xf32>,
      %parallel_loop3A_389 = vector.shape_cast %parallel_loop3A_388 : vector<1x16xf32> to vector<16xf32>
      %parallel_loop3A_390 = vector.shape_cast %parallel_loop3A_385 : vector<16xf32> to vector<1x16xf32>
      tpu.vector_store %arg8[%parallel_loop3A_386, %parallel_loop3A_387], %parallel_loop3A_390 {strides = array<i32>} : memref<512x64xf32, #tpu.memory_space<vmem>>, vector<1x16xf32>,
      %parallel_loop3A_391 = arith.index_cast %parallel_loop3A_348 : i32 to index
      %parallel_loop3A_392 = arith.constant 48 : index
      %parallel_loop3A_393 = tpu.vector_load %arg8[%parallel_loop3A_391, %parallel_loop3A_392] {strides = array<i32>} : memref<512x64xf32, #tpu.memory_space<vmem>>, vector<1x16xf32>,
      %parallel_loop3A_394 = vector.shape_cast %parallel_loop3A_393 : vector<1x16xf32> to vector<16xf32>
      %parallel_loop3A_395 = arith.index_cast %parallel_loop3A_348 : i32 to index
      %parallel_loop3A_396 = arith.constant 48 : index
      %parallel_loop3A_397 = tpu.vector_load %arg9[%parallel_loop3A_395, %parallel_loop3A_396] {strides = array<i32>} : memref<512x64xf32, #tpu.memory_space<vmem>>, vector<1x16xf32>,
      %parallel_loop3A_398 = vector.shape_cast %parallel_loop3A_397 : vector<1x16xf32> to vector<16xf32>
      %parallel_loop3A_399 = arith.mulf %parallel_loop3A_394, %parallel_loop3A_398 : vector<16xf32>
      %parallel_loop3A_400 = arith.index_cast %parallel_loop3A_348 : i32 to index
      %parallel_loop3A_401 = arith.constant 48 : index
      %parallel_loop3A_402 = tpu.vector_load %arg8[%parallel_loop3A_400, %parallel_loop3A_401] {strides = array<i32>} : memref<512x64xf32, #tpu.memory_space<vmem>>, vector<1x16xf32>,
      %parallel_loop3A_403 = vector.shape_cast %parallel_loop3A_402 : vector<1x16xf32> to vector<16xf32>
      %parallel_loop3A_404 = vector.shape_cast %parallel_loop3A_399 : vector<16xf32> to vector<1x16xf32>
      tpu.vector_store %arg8[%parallel_loop3A_400, %parallel_loop3A_401], %parallel_loop3A_404 {strides = array<i32>} : memref<512x64xf32, #tpu.memory_space<vmem>>, vector<1x16xf32>,
    } {sc.loop_unroll_factor = 4 : i64, sc.parallel_access}
    %dma_start3A_248 = arith.constant 384 : i32
    %dma_start3A_249 = arith.constant 0 : i32
    %dma_start3A_250 = tpu.memref_slice %arg8[%dma_start3A_248, %dma_start3A_249] : memref<512x64xf32, #tpu.memory_space<vmem>> -> memref<128x64xf32, #tpu.memory_space<vmem>>
    %dma_start3A_251 = arith.constant 0 : i32
    %dma_start3A_252 = arith.constant 0 : i32
    %dma_start3A_253 = tpu.memref_slice %arg5[%add3A, %dma_start3A_251, %dma_start3A_252] : memref<32x512x64xf32, #tpu.memory_space<hbm>> -> memref<1x512x64xf32, #tpu.memory_space<hbm>>
    %dma_start3A_254 = tpu.memref_squeeze %dma_start3A_253 : memref<1x512x64xf32, #tpu.memory_space<hbm>> -> memref<512x64xf32, #tpu.memory_space<hbm>>
    %dma_start3A_255 = arith.constant 384 : i32
    %dma_start3A_256 = arith.constant 0 : i32
    %dma_start3A_257 = tpu.memref_slice %dma_start3A_254[%dma_start3A_255, %dma_start3A_256] : memref<512x64xf32, #tpu.memory_space<hbm>> -> memref<128x64xf32, #tpu.memory_space<hbm>>
    %dma_start3A_258 = arith.constant 0 : i32
    %dma_start3A_259 = arith.constant 0 : i32
    %dma_start3A_260 = tpu.memref_slice %arg5[%add3A, %dma_start3A_258, %dma_start3A_259] : memref<32x512x64xf32, #tpu.memory_space<hbm>> -> memref<1x512x64xf32, #tpu.memory_space<hbm>>
    %dma_start3A_261 = tpu.memref_squeeze %dma_start3A_260 : memref<1x512x64xf32, #tpu.memory_space<hbm>> -> memref<512x64xf32, #tpu.memory_space<hbm>>
    %dma_start3A_262 = arith.constant 384 : i32
    %dma_start3A_263 = arith.constant 0 : i32
    %dma_start3A_264 = tpu.memref_slice %dma_start3A_261[%dma_start3A_262, %dma_start3A_263] : memref<512x64xf32, #tpu.memory_space<hbm>> -> memref<128x64xf32, #tpu.memory_space<hbm>>
    %dma_start3A_265 = arith.constant 384 : i32
    %dma_start3A_266 = arith.constant 0 : i32
    %dma_start3A_267 = tpu.memref_slice %arg8[%dma_start3A_265, %dma_start3A_266] : memref<512x64xf32, #tpu.memory_space<vmem>> -> memref<128x64xf32, #tpu.memory_space<vmem>>
    tpu.enqueue_dma source(%dma_start3A_267 : memref<128x64xf32, #tpu.memory_space<vmem>>) target(%dma_start3A_264 : memref<128x64xf32, #tpu.memory_space<hbm>>) target_semaphore(%arg12 : memref<!tpu.dma_semaphore, #tpu.memory_space<semaphore_mem>>)
    %dma_wait3A_268 = arith.constant 0 : i32
    %dma_wait3A_269 = arith.constant 0 : i32
    %dma_wait3A_270 = tpu.memref_slice %arg8[%dma_wait3A_268, %dma_wait3A_269] : memref<512x64xf32, #tpu.memory_space<vmem>> -> memref<128x64xf32, #tpu.memory_space<vmem>>
    %dma_wait3A_271 = arith.constant 0 : i32
    %dma_wait3A_272 = arith.constant 0 : i32
    %dma_wait3A_273 = tpu.memref_slice %arg5[%add3A, %dma_wait3A_271, %dma_wait3A_272] : memref<32x512x64xf32, #tpu.memory_space<hbm>> -> memref<1x512x64xf32, #tpu.memory_space<hbm>>
    %dma_wait3A_274 = tpu.memref_squeeze %dma_wait3A_273 : memref<1x512x64xf32, #tpu.memory_space<hbm>> -> memref<512x64xf32, #tpu.memory_space<hbm>>
    %dma_wait3A_275 = arith.constant 0 : i32
    %dma_wait3A_276 = arith.constant 0 : i32
    %dma_wait3A_277 = tpu.memref_slice %dma_wait3A_274[%dma_wait3A_275, %dma_wait3A_276] : memref<512x64xf32, #tpu.memory_space<hbm>> -> memref<128x64xf32, #tpu.memory_space<hbm>>
    %dma_wait3A_278 = arith.constant 0 : i32
    %dma_wait3A_279 = arith.constant 0 : i32
    %dma_wait3A_280 = tpu.memref_slice %arg5[%add3A, %dma_wait3A_278, %dma_wait3A_279] : memref<32x512x64xf32, #tpu.memory_space<hbm>> -> memref<1x512x64xf32, #tpu.memory_space<hbm>>
    %dma_wait3A_281 = tpu.memref_squeeze %dma_wait3A_280 : memref<1x512x64xf32, #tpu.memory_space<hbm>> -> memref<512x64xf32, #tpu.memory_space<hbm>>
    %dma_wait3A_282 = arith.constant 0 : i32
    %dma_wait3A_283 = arith.constant 0 : i32
    %dma_wait3A_284 = tpu.memref_slice %dma_wait3A_281[%dma_wait3A_282, %dma_wait3A_283] : memref<512x64xf32, #tpu.memory_space<hbm>> -> memref<128x64xf32, #tpu.memory_space<hbm>>
    %dma_wait3A_285 = arith.constant 0 : i32
    %dma_wait3A_286 = arith.constant 0 : i32
    %dma_wait3A_287 = tpu.memref_slice %arg8[%dma_wait3A_285, %dma_wait3A_286] : memref<512x64xf32, #tpu.memory_space<vmem>> -> memref<128x64xf32, #tpu.memory_space<vmem>>
    tpu.wait_dma2 semaphore(%arg12 : memref<!tpu.dma_semaphore, #tpu.memory_space<semaphore_mem>>) src(%dma_wait3A_287 : memref<128x64xf32, #tpu.memory_space<vmem>>) dst(%dma_wait3A_284 : memref<128x64xf32, #tpu.memory_space<hbm>>)
    %dma_wait3A_288 = arith.constant 128 : i32
    %dma_wait3A_289 = arith.constant 0 : i32
    %dma_wait3A_290 = tpu.memref_slice %arg8[%dma_wait3A_288, %dma_wait3A_289] : memref<512x64xf32, #tpu.memory_space<vmem>> -> memref<128x64xf32, #tpu.memory_space<vmem>>
    %dma_wait3A_291 = arith.constant 0 : i32
    %dma_wait3A_292 = arith.constant 0 : i32
    %dma_wait3A_293 = tpu.memref_slice %arg5[%add3A, %dma_wait3A_291, %dma_wait3A_292] : memref<32x512x64xf32, #tpu.memory_space<hbm>> -> memref<1x512x64xf32, #tpu.memory_space<hbm>>
    %dma_wait3A_294 = tpu.memref_squeeze %dma_wait3A_293 : memref<1x512x64xf32, #tpu.memory_space<hbm>> -> memref<512x64xf32, #tpu.memory_space<hbm>>
    %dma_wait3A_295 = arith.constant 128 : i32
    %dma_wait3A_296 = arith.constant 0 : i32
    %dma_wait3A_297 = tpu.memref_slice %dma_wait3A_294[%dma_wait3A_295, %dma_wait3A_296] : memref<512x64xf32, #tpu.memory_space<hbm>> -> memref<128x64xf32, #tpu.memory_space<hbm>>
    %dma_wait3A_298 = arith.constant 0 : i32
    %dma_wait3A_299 = arith.constant 0 : i32
    %dma_wait3A_300 = tpu.memref_slice %arg5[%add3A, %dma_wait3A_298, %dma_wait3A_299] : memref<32x512x64xf32, #tpu.memory_space<hbm>> -> memref<1x512x64xf32, #tpu.memory_space<hbm>>
    %dma_wait3A_301 = tpu.memref_squeeze %dma_wait3A_300 : memref<1x512x64xf32, #tpu.memory_space<hbm>> -> memref<512x64xf32, #tpu.memory_space<hbm>>
    %dma_wait3A_302 = arith.constant 128 : i32
    %dma_wait3A_303 = arith.constant 0 : i32
    %dma_wait3A_304 = tpu.memref_slice %dma_wait3A_301[%dma_wait3A_302, %dma_wait3A_303] : memref<512x64xf32, #tpu.memory_space<hbm>> -> memref<128x64xf32, #tpu.memory_space<hbm>>
    %dma_wait3A_305 = arith.constant 128 : i32
    %dma_wait3A_306 = arith.constant 0 : i32
    %dma_wait3A_307 = tpu.memref_slice %arg8[%dma_wait3A_305, %dma_wait3A_306] : memref<512x64xf32, #tpu.memory_space<vmem>> -> memref<128x64xf32, #tpu.memory_space<vmem>>
    tpu.wait_dma2 semaphore(%arg12 : memref<!tpu.dma_semaphore, #tpu.memory_space<semaphore_mem>>) src(%dma_wait3A_307 : memref<128x64xf32, #tpu.memory_space<vmem>>) dst(%dma_wait3A_304 : memref<128x64xf32, #tpu.memory_space<hbm>>)
    %dma_wait3A_308 = arith.constant 256 : i32
    %dma_wait3A_309 = arith.constant 0 : i32
    %dma_wait3A_310 = tpu.memref_slice %arg8[%dma_wait3A_308, %dma_wait3A_309] : memref<512x64xf32, #tpu.memory_space<vmem>> -> memref<128x64xf32, #tpu.memory_space<vmem>>
    %dma_wait3A_311 = arith.constant 0 : i32
    %dma_wait3A_312 = arith.constant 0 : i32
    %dma_wait3A_313 = tpu.memref_slice %arg5[%add3A, %dma_wait3A_311, %dma_wait3A_312] : memref<32x512x64xf32, #tpu.memory_space<hbm>> -> memref<1x512x64xf32, #tpu.memory_space<hbm>>
    %dma_wait3A_314 = tpu.memref_squeeze %dma_wait3A_313 : memref<1x512x64xf32, #tpu.memory_space<hbm>> -> memref<512x64xf32, #tpu.memory_space<hbm>>
    %dma_wait3A_315 = arith.constant 256 : i32
    %dma_wait3A_316 = arith.constant 0 : i32
    %dma_wait3A_317 = tpu.memref_slice %dma_wait3A_314[%dma_wait3A_315, %dma_wait3A_316] : memref<512x64xf32, #tpu.memory_space<hbm>> -> memref<128x64xf32, #tpu.memory_space<hbm>>
    %dma_wait3A_318 = arith.constant 0 : i32
    %dma_wait3A_319 = arith.constant 0 : i32
    %dma_wait3A_320 = tpu.memref_slice %arg5[%add3A, %dma_wait3A_318, %dma_wait3A_319] : memref<32x512x64xf32, #tpu.memory_space<hbm>> -> memref<1x512x64xf32, #tpu.memory_space<hbm>>
    %dma_wait3A_321 = tpu.memref_squeeze %dma_wait3A_320 : memref<1x512x64xf32, #tpu.memory_space<hbm>> -> memref<512x64xf32, #tpu.memory_space<hbm>>
    %dma_wait3A_322 = arith.constant 256 : i32
    %dma_wait3A_323 = arith.constant 0 : i32
    %dma_wait3A_324 = tpu.memref_slice %dma_wait3A_321[%dma_wait3A_322, %dma_wait3A_323] : memref<512x64xf32, #tpu.memory_space<hbm>> -> memref<128x64xf32, #tpu.memory_space<hbm>>
    %dma_wait3A_325 = arith.constant 256 : i32
    %dma_wait3A_326 = arith.constant 0 : i32
    %dma_wait3A_327 = tpu.memref_slice %arg8[%dma_wait3A_325, %dma_wait3A_326] : memref<512x64xf32, #tpu.memory_space<vmem>> -> memref<128x64xf32, #tpu.memory_space<vmem>>
    tpu.wait_dma2 semaphore(%arg12 : memref<!tpu.dma_semaphore, #tpu.memory_space<semaphore_mem>>) src(%dma_wait3A_327 : memref<128x64xf32, #tpu.memory_space<vmem>>) dst(%dma_wait3A_324 : memref<128x64xf32, #tpu.memory_space<hbm>>)
    %dma_wait3A_328 = arith.constant 384 : i32
    %dma_wait3A_329 = arith.constant 0 : i32
    %dma_wait3A_330 = tpu.memref_slice %arg8[%dma_wait3A_328, %dma_wait3A_329] : memref<512x64xf32, #tpu.memory_space<vmem>> -> memref<128x64xf32, #tpu.memory_space<vmem>>
    %dma_wait3A_331 = arith.constant 0 : i32
    %dma_wait3A_332 = arith.constant 0 : i32
    %dma_wait3A_333 = tpu.memref_slice %arg5[%add3A, %dma_wait3A_331, %dma_wait3A_332] : memref<32x512x64xf32, #tpu.memory_space<hbm>> -> memref<1x512x64xf32, #tpu.memory_space<hbm>>
    %dma_wait3A_334 = tpu.memref_squeeze %dma_wait3A_333 : memref<1x512x64xf32, #tpu.memory_space<hbm>> -> memref<512x64xf32, #tpu.memory_space<hbm>>
    %dma_wait3A_335 = arith.constant 384 : i32
    %dma_wait3A_336 = arith.constant 0 : i32
    %dma_wait3A_337 = tpu.memref_slice %dma_wait3A_334[%dma_wait3A_335, %dma_wait3A_336] : memref<512x64xf32, #tpu.memory_space<hbm>> -> memref<128x64xf32, #tpu.memory_space<hbm>>
    %dma_wait3A_338 = arith.constant 0 : i32
    %dma_wait3A_339 = arith.constant 0 : i32
    %dma_wait3A_340 = tpu.memref_slice %arg5[%add3A, %dma_wait3A_338, %dma_wait3A_339] : memref<32x512x64xf32, #tpu.memory_space<hbm>> -> memref<1x512x64xf32, #tpu.memory_space<hbm>>
    %dma_wait3A_341 = tpu.memref_squeeze %dma_wait3A_340 : memref<1x512x64xf32, #tpu.memory_space<hbm>> -> memref<512x64xf32, #tpu.memory_space<hbm>>
    %dma_wait3A_342 = arith.constant 384 : i32
    %dma_wait3A_343 = arith.constant 0 : i32
    %dma_wait3A_344 = tpu.memref_slice %dma_wait3A_341[%dma_wait3A_342, %dma_wait3A_343] : memref<512x64xf32, #tpu.memory_space<hbm>> -> memref<128x64xf32, #tpu.memory_space<hbm>>
    %dma_wait3A_345 = arith.constant 384 : i32
    %dma_wait3A_346 = arith.constant 0 : i32
    %dma_wait3A_347 = tpu.memref_slice %arg8[%dma_wait3A_345, %dma_wait3A_346] : memref<512x64xf32, #tpu.memory_space<vmem>> -> memref<128x64xf32, #tpu.memory_space<vmem>>
    tpu.wait_dma2 semaphore(%arg12 : memref<!tpu.dma_semaphore, #tpu.memory_space<semaphore_mem>>) src(%dma_wait3A_347 : memref<128x64xf32, #tpu.memory_space<vmem>>) dst(%dma_wait3A_344 : memref<128x64xf32, #tpu.memory_space<hbm>>)
    return
  }
}

</mosaic_0001>

<sc_bundles>
// kernel: kernel.3.cloned.1.call-start
scs
__scs_entry_jumppad:
0x0: {  	(pc) =	sbr.rel $0x88, $3  }
0x1: {  	(tag) =	ssettag $0x0;
	lr =	simm.s32 $0x1  }
0x2: {  	[smem:$0x3F9E] =	sst lr;
	_ =	strace $0xD0000000  }
0x3: {  	_ = 	snop  }
0x4: {  	_ = 	snop  }
0x5: {  	_ = 	snop  }
0x6: {  	_ = 	snop  }
0x7: {  	_ = 	snop  }
__scs_overlays_trampoline_lowered:
0x8: {  	[smem:$0x3FAD] =	sst s0  }
0x9: {  	[smem:$0x3FAE] =	sst s1  }
0xa: {  	[smem:$0x3FAF] =	sst s2  }
0xb: {  	[smem:$0x3FB0] =	sst s3  }
0xc: {  	[smem:$0x3FB1] =	sst s4  }
0xd: {  	[smem:$0x3FB2] =	sst s5  }
0xe: {  	[smem:$0x3FB3] =	sst s6  }
0xf: {  	[smem:$0x3FB4] =	sst s7  }
0x10: {  	[smem:$0x3FB5] =	sst s8  }
0x11: {  	[smem:$0x3FB6] =	sst s9;
	s0 =	simm.s32 @!p0 $0x0  }
0x12: {  	s1 =	sld [smem:$0x3F9C];
	s0 =	simm.s32 @p0 $0x1  }
0x13: {  	[smem:$0x3FB7] =	sst s0;
	s0 =	simm.s32 @!p1 $0x0  }
0x14: {  	s2 =	sld [smem:$0x3F9B];
	s0 =	simm.s32 @p1 $0x1  }
0x15: {  	[smem:$0x3FB8] =	sst s0;
	s0 =	simm.s32 @!p2 $0x0  }
0x16: {  	s3 =	sld [smem:$0x3FDB];
	s0 =	simm.s32 @p2 $0x1  }
0x17: {  	s4 =	simm.s32 $0x1BF5;
	[smem:$0x3FBA] =	sst s0  }
0x18: {  	s0 =	sld [smem:$0x3F9D];
	_ =	swait.ge [sflag:s4], $0x0  }
0x19: {  	s7 =	sld [smem:$0x3F9E]  }
0x1a: {  	s8 =	sadd.s32 $0xFFFFE003, lr  }
0x1b: {  	s9 =	sadd.s32 $0xFFFFFEF7, lr;
	s5 =	simm.s32 $0xFFFFFFFF;
	p2 =	slt.u32 s8, $0xFFFFF086  }
0x1c: {  	p1 =	slt.u32 s9, $0xF7A;
	s5 =	simm.s32 @!p2 $0x0  }
0x1d: {  	s5 =	simm.s32 @p1 $0x1;
	p0 =	seq.s32 s7, s2  }
0x1e: {  	s7 =	smul.u32 @!p0 $0xF7A, s2;
	p2 =	seq.s32 @!p0 s5, $0x0  }
0x1f: {  	s9 =	smul.u32 $0xF7A, s1;
	s8 =	simm.s32 @!p0 $0x1BF5;
	p2 =	por !p2, p0  }
0x20: {  	[sflag:s8] =	ssyncset.s32 @!p0 $0xFFFFF086;
	s6 =	sadd.s32 @!p0 s3, s7;
	s7 =	simm.s32 @!p0 $0x108  }
0x21: {  	s3 =	sadd.s32 s3, s9;
	s6 =	sadd.s32 @!p0 $0x88, s6;
	s7 =	simm.s32 @p2 $0x1082  }
0x22: {  	[simem:s7], [sflag:s8] =	dma.local @!p0 [hbm:s6], $0xF7A  }
0x23: {  	s9 =	sor.u32 $0xD0000000, s2;
	s6 =	simm.s32 $0x108;
	_ =	swait.ge @!p0 [sflag:s8], $0x0  }
0x24: {  	s3 =	sadd.s32 $0x88, s3;
	s6 =	simm.s32 @!p1 $0x1082;
	[sflag:s4] =	ssyncset.s32 $0xFFFFF086  }
0x25: {  	[simem:s6], [sflag:s4] =	dma.local [hbm:s3], $0xF7A  }
0x26: {  	[smem:$0x3F9E] =	sst s1;
	(tag) =	ssettag s2;
	_ =	strace s9  }
0x27: {  	s1 =	sld [smem:$0x3FAE]  }
0x28: {  	s2 =	sld [smem:$0x3FAF]  }
0x29: {  	s4 =	sld [smem:$0x3FB1]  }
0x2a: {  	p0 =	seq.s32 s5, $0x0;
	s5 =	sld [smem:$0x3FB2]  }
0x2b: {  	s6 =	sld [smem:$0x3FB3]  }
0x2c: {  	s7 =	sld [smem:$0x3FB4]  }
0x2d: {  	s3 =	simm.s32 $0x108;
	s8 =	sld [smem:$0x3FB5]  }
0x2e: {  	s3 =	simm.s32 @!p0 $0x1082;
	s9 =	sld [smem:$0x3FB6]  }
0x2f: {  	lr =	sadd.s32 s0, s3;
	s0 =	sld [smem:$0x3FAD]  }
0x30: {  	s3 =	sld [smem:$0x3FB0]  }
0x31: {  	[smem:$0x3FB9] =	sst s10  }
0x32: {  	s10 =	sld [smem:$0x3FB7];
	_ =	sdelay $0x3  }
0x33: {  	p0 =	seq.s32 s10, $0x1;
	s10 =	sld [smem:$0x3FB9];
	_ =	sdelay $0x3  }
0x34: {  	[smem:$0x3FB9] =	sst s10  }
0x35: {  	s10 =	sld [smem:$0x3FB8];
	_ =	sdelay $0x3  }
0x36: {  	p1 =	seq.s32 s10, $0x1;
	s10 =	sld [smem:$0x3FB9];
	_ =	sdelay $0x3  }
0x37: {  	[smem:$0x3FB9] =	sst s10  }
0x38: {  	s10 =	sld [smem:$0x3FBA]  }
0x39: {  	_ = 	snop;
	(pc) =	sbr.ind lr, $3  }
0x3a: {  	_ = 	snop  }
0x3b: {  	_ = 	snop  }
0x3c: {  	p2 =	seq.s32 s10, $0x1;
	s10 =	sld [smem:$0x3FB9]  }
0x3d: {  	_ =	shalt  }
0x3e: {  	_ =	shalt  }
0x3f: {  	_ =	shalt  }
0x40: {  	_ =	shalt  }
0x41: {  	_ =	shalt  }
0x42: {  	_ =	shalt  }
0x43: {  	_ =	shalt  }
0x44: {  	_ =	shalt  }
0x45: {  	_ =	shalt  }
0x46: {  	_ =	shalt  }
0x47: {  	_ =	shalt  }
0x48: {  	_ =	shalt  }
0x49: {  	_ =	shalt  }
0x4a: {  	_ =	shalt  }
0x4b: {  	_ =	shalt  }
0x4c: {  	_ =	shalt  }
0x4d: {  	_ =	shalt  }
0x4e: {  	_ =	shalt  }
0x4f: {  	_ =	shalt  }
0x50: {  	_ =	shalt  }
0x51: {  	_ =	shalt  }
0x52: {  	_ =	shalt  }
0x53: {  	_ =	shalt  }
0x54: {  	_ =	shalt  }
0x55: {  	_ =	shalt  }
0x56: {  	_ =	shalt  }
0x57: {  	_ =	shalt  }
0x58: {  	_ =	shalt  }
0x59: {  	_ =	shalt  }
0x5a: {  	_ =	shalt  }
0x5b: {  	_ =	shalt  }
0x5c: {  	_ =	shalt  }
0x5d: {  	_ =	shalt  }
0x5e: {  	_ =	shalt  }
0x5f: {  	_ =	shalt  }
0x60: {  	_ =	shalt  }
0x61: {  	_ =	shalt  }
0x62: {  	_ =	shalt  }
0x63: {  	_ =	shalt  }
0x64: {  	_ =	shalt  }
0x65: {  	_ =	shalt  }
0x66: {  	_ =	shalt  }
0x67: {  	_ =	shalt  }
0x68: {  	_ =	shalt  }
0x69: {  	_ =	shalt  }
0x6a: {  	_ =	shalt  }
0x6b: {  	_ =	shalt  }
0x6c: {  	_ =	shalt  }
0x6d: {  	_ =	shalt  }
0x6e: {  	_ =	shalt  }
0x6f: {  	_ =	shalt  }
0x70: {  	_ =	shalt  }
0x71: {  	_ =	shalt  }
0x72: {  	_ =	shalt  }
0x73: {  	_ =	shalt  }
0x74: {  	_ =	shalt  }
0x75: {  	_ =	shalt  }
0x76: {  	_ =	shalt  }
0x77: {  	_ =	shalt  }
0x78: {  	_ =	shalt  }
0x79: {  	_ =	shalt  }
0x7a: {  	_ =	shalt  }
0x7b: {  	_ =	shalt  }
0x7c: {  	_ =	shalt  }
0x7d: {  	_ =	shalt  }
0x7e: {  	_ =	shalt  }
0x7f: {  	_ =	shalt  }
0x80: {  	_ =	shalt  }
0x81: {  	_ =	shalt  }
0x82: {  	_ =	shalt  }
0x83: {  	_ =	shalt  }
0x84: {  	_ =	shalt  }
0x85: {  	_ =	shalt  }
0x86: {  	_ =	shalt  }
0x87: {  	_ =	shalt  }
.Lfunc_end0:
.L_simem_size_0:
called_computation_lowered:
.L_overlay_start_0:
0x88: {  	s2 =	sld [smem:$0x3FD9]  }
0x89: {  	s3 =	sld [smem:$0x3FFE];
	_ =	sdelay $0x1  }
0x8a: {  	s1 =	srdreg.scid  }
0x8b: {  	s0 =	sand.u32 $0x1, s1  }
0x8c: {  	s17 =	sshll.u32 s0, $0xA;
	s2 =	sadd.s32 s3, s2  }
0x8d: {  	s2 =	sadd.s32 s2, s17  }
0x8e: {  	[smem:$0x3FC5] =	sst s2  }
0x8f: {  	_ = 	snop  }
0x90: {  	s2 =	sld [smem:$0x3FC9]  }
0x91: {  	s18 =	sld [smem:$0x3FC8]  }
0x92: {  	s4 =	sld [smem:$0x3FD0];
	(tm) =	ssettm $0x1  }
0x93: {  	s5 =	sld [smem:$0x3FFB];
	_ =	sdelay $0x3  }
0x94: {  	_ =	strace s5  }
0x95: {  	s5 =	sld [smem:$0x3FFC];
	_ =	sdelay $0x3  }
0x96: {  	_ =	strace s5  }
0x97: {  	s5 =	sld [smem:$0x3FFD];
	_ =	sdelay $0x3  }
0x98: {  	_ =	strace s5  }
0x99: {  	_ =	strace $0x8FFFFFFF  }
0x9a: {  	s19 =	sld [smem:$0x3FDB];
	_ =	sdelay $0x1  }
0x9b: {  	s6 =	simm.s32 $_scs_section_size  }
0x9c: {  	s7 =	simm.s32 $_size__tile_overlayer_lowered;
	s8 =	simm.s32 $_tile_overlayer_lowered  }
0x9d: {  	s22 =	simm.s32 $0x1BFF;
	s21 =	sshll.u32 s8, $0x1;
	s5 =	sadd.s32 s6, s19  }
0x9e: {  	s9 =	simm.s32 $0x0;
	s20 =	sshll.u32 s7, $0x1;
	s7 =	sadd.s32 s21, s5  }
0x9f: {  	[timem:s9], [sflag:s22] =	dma.local [hbm:s7], s20  }
0xa0: {  	_ =	swait.ge [sflag:s22], s20  }
0xa1: {  	s6 =	ssub.s32 $0x0, s20;
	[sflag:s22] =	ssyncset.done $0x0  }
0xa2: {  	[sflag:s22] =	ssyncadd.s32 s6;
	_ =	sdelay $0x1  }
0xa3: {  	s23 =	simm.s32 $0x1B8B  }
0xa4: {  	_ =	swait.ge [sflag:s23], $0x1  }
0xa5: {  	[sflag:s23] =	ssyncset.done $0x0  }
0xa6: {  	s25 =	simm.s32 $0x1B8E;
	s24 =	sld [smem:$0x3FFE];
	[sflag:s23] =	ssyncadd.s32 $0xFFFFFFFF  }
0xa7: {  	s26 =	simm.s32 $execute0_lowered;
	[smem:$0x3FD2] =	sst s25  }
0xa8: {  	s7 =	sshll.u32 s26, $0x1;
	_ =	strace $0x80000046;
	[dreg:$0x1] =	wrdreg $0xFFFFFFFF  }
0xa9: {  	s28 =	simm.s32 $_size_execute0_lowered;
	s5 =	sadd.s32 s5, s7;
	[dreg:$0x0] =	wrdreg $0x0  }
0xaa: {  	s7 =	sshll.u32 s28, $0x1;
	[dreg:$0x2] =	wrdreg s5  }
0xab: {  	[dreg:$0x3] =	wrdreg s7  }
0xac: {  	[dreg:$0x4] =	wrdreg $0xC0  }
0xad: {  	_ =	task [dreg:s9], $0x5FFFF  }
0xae: {  	[dreg:$0x1] =	wrdreg $0xFFFFFFFF  }
0xaf: {  	[dreg:$0x0] =	wrdreg $0x60  }
0xb0: {  	[dreg:$0x2] =	wrdreg s24  }
0xb1: {  	[dreg:$0x3] =	wrdreg s2  }
0xb2: {  	[dreg:$0x4] =	wrdreg s18  }
0xb3: {  	[dreg:$0x5] =	wrdreg s4  }
0xb4: {  	[dreg:$0x6] =	wrdreg $0x9  }
0xb5: {  	_ =	task.clear_ibuf [dreg:s9], $0x7FFFF;
	_ =	strace $0x90000046  }
0xb6: {  	s29 =	simm.s32 $0x9;
	_ =	strace $0x80000048  }
0xb7: {  	_ =	swait.ge [sflag:s29], $0x1  }
0xb8: {  	[sflag:s29] =	ssyncadd.s32 $0xFFFFFFFF  }
0xb9: {  	_ =	strace $0x90000048  }
0xba: {  	_ =	sfence  }
0xbb: {  	s30 =	sld [smem:$0x0];
	_ =	sdelay $0x2  }
0xbc: {  	s31 =	sshll.u32 s1, $0xD;
	s1 =	sshrl.u32 s1, $0x2  }
0xbd: {  	s3 =	sand.u32 $0x4000, s31;
	s1 =	sadd.s32 s1, s30  }
0xbe: {  	s0 =	sor.u32 s3, s0;
	s1 =	sshll.u32 s1, $0x11  }
0xbf: {  	s0 =	sor.u32 s1, s0  }
0xc0: {  	s0 =	sadd.s32 $0x8F2B, s0  }
0xc1: {  	[sflag:s0] =	ssyncadd.remote.s32 $0x1  }
0xc2: {  	_ =	sfence.sel $0xFFFF  }
0xc3: {  	[dreg:$0x0] =	wrdreg $0xFFFFFFFF;
	(pc) =	sbr.abs _section_cstart, $3  }
0xc4: {  	[dreg:$0x1] =	wrdreg $0xFFFFFFFF  }
0xc5: {  	_ =	task.clear_ibuf [dreg:s9], $0x2FFFF;
	_ =	strace $0x9FFFFFFF  }
0xc6: {  	(tm) =	ssettm $0x7FFFFFFF  }
0xc7: {  	_ =	shalt  }
tec
execute0_lowered:
.L_overlay_start_1:
0x0: {  	(tag) =	ssettag $0x1  }
0x1: {  	s0 =	rddreg [dreg:$0x0]  }
0x2: {  	s1 =	rddreg [dreg:$0x1]  }
0x3: {  	s5 =	rddreg [dreg:$0x2]  }
0x4: {  	s6 =	rddreg [dreg:$0x3]  }
0x5: {  	s2 =	simm.s32 $0x0;
	s3 =	srdreg.scid;
	s8 =	stileid.u32  }
0x6: {  	s9 =	simm.s32 $0x200;
	s10 =	simm.s32 $0x80;
	s11 =	simm.s32 $0x400  }
0x7: {  	s13 =	simm.s32 $0x2400;
	s17 =	simm.s32 $0x4400;
	s19 =	simm.s32 $0xC400  }
0x8: {  	s20 =	simm.s32 $0x180;
	s21 =	simm.s32 $0x6400;
	s22 =	simm.s32 $0x380  }
0x9: {  	s23 =	simm.s32 $0xE400;
	s24 =	simm.s32 $0x1;
	s28 =	simm.s32 $0x6  }
0xa: {  	s29 =	simm.s32 $0x3;
	s30 =	simm.s32 $0x7;
	s31 =	simm.s32 $0x4  }
0xb: {  	s12 =	simm.s32 $0x0;
	[smem:$0x7FF] =	sst s2;
	s4 =	sand.u32 $0x1, s3  }
0xc: {  	s8 =	sshll.u32 s8, $0x1;
	s3 =	sadd.s32 $0x186E00, s0;
	s7 =	ssub.s32 $0x2, s4  }
0xd: {  	_ =	strace $0x80000047;
	s4 =	sor.u32 s4, s8;
	s25 =	sshrl.u32 s7, $0x1  }
0xe: {  	s26 =	sshll.u32 s4, $0x6;
	s8 =	sshll.u32 s4, $0xC;
	s0 =	ssub.s32 s7, s25  }
0xf: {  	s4 =	sadd.s32 s1, s26;
	s5 =	sadd.s32 s5, s26;
	s6 =	sadd.s32 s6, s8  }
0x10: {  	s8 =	simm.s32 $0xA;
	s25 =	simm.s32 $0x5;
	s26 =	simm.s32 $0x2  }
0x11: {  	s1 =	simm.s32 $0x9;
	s7 =	smax.u32 s0, $0x1;
	s0 =	simm.s32 $0x8  }
.LBB2_1:
0x12: {  	[tilespmem:s2], [sflag:$0xA] =	stream.linear.gather [hbm4b:s4+s2], $0x200, $0x38;
	[tilespmem:$0x10400] =	vst v63  }
0x13: {  	_ =	swait.ge [sflag:s8], $0x200  }
0x14: {  	[sflag:s8] =	ssyncset.done $0x0  }
0x15: {  	[sflag:s8] =	ssyncadd.s32 $0xFFFFFE00  }
0x16: {  	[tilespmem:s9], [sflag:$0xA] =	stream.linear.gather [hbm4b:s5+s2], $0x200, $0x38;
	[tilespmem:$0x10400] =	vst v63  }
0x17: {  	_ =	swait.ge [sflag:s8], $0x200  }
0x18: {  	[sflag:s8] =	ssyncset.done $0x0  }
0x19: {  	[sflag:s8] =	ssyncadd.s32 $0xFFFFFE00  }
0x1a: {  	[tilespmem:s11], [sflag:$0x1] =	stream.indirect.gather [hbm4b:s3+s10], $0x40, s2, s10, $0xb8;
	[tilespmem:$0x10400] =	vst v63  }
0x1b: {  	s14 =	simm.s32 $0x8400  }
0x1c: {  	[tilespmem:s14], [sflag:$0x5] =	stream.indirect.gather [hbm4b:s3+s10], $0x40, s9, s10, $0xb8;
	[tilespmem:$0x10400] =	vst v63  }
0x1d: {  	_ = 	snop  }
0x1e: {  	[tilespmem:s13], [sflag:$0x2] =	stream.indirect.gather [hbm4b:s3+s10], $0x40, s10, s10, $0xb8;
	[tilespmem:$0x10400] =	vst v63  }
0x1f: {  	s18 =	simm.s32 $0x280;
	s15 =	simm.s32 $0xA400  }
0x20: {  	[tilespmem:s15], [sflag:$0x6] =	stream.indirect.gather [hbm4b:s3+s10], $0x40, s18, s10, $0xb8;
	[tilespmem:$0x10400] =	vst v63  }
0x21: {  	s16 =	simm.s32 $0x100  }
0x22: {  	[tilespmem:s17], [sflag:$0x3] =	stream.indirect.gather [hbm4b:s3+s10], $0x40, s16, s10, $0xb8;
	[tilespmem:$0x10400] =	vst v63  }
0x23: {  	s18 =	simm.s32 $0x300  }
0x24: {  	[tilespmem:s19], [sflag:$0x7] =	stream.indirect.gather [hbm4b:s3+s10], $0x40, s18, s10, $0xb8;
	[tilespmem:$0x10400] =	vst v63  }
0x25: {  	_ = 	snop  }
0x26: {  	[tilespmem:s21], [sflag:$0x4] =	stream.indirect.gather [hbm4b:s3+s10], $0x40, s20, s10, $0xb8;
	[tilespmem:$0x10400] =	vst v63  }
0x27: {  	_ = 	snop  }
0x28: {  	[tilespmem:s23], [sflag:$0x8] =	stream.indirect.gather [hbm4b:s3+s10], $0x40, s22, s10, $0xb8;
	[tilespmem:$0x10400] =	vst v63  }
0x29: {  	_ =	swait.ge [sflag:s24], $0x2000  }
0x2a: {  	[sflag:s24] =	ssyncset.done $0x0  }
0x2b: {  	[sflag:s24] =	ssyncadd.s32 $0xFFFFE000  }
0x2c: {  	_ =	swait.ge [sflag:s25], $0x2000  }
0x2d: {  	[sflag:s25] =	ssyncset.done $0x0  }
0x2e: {  	s14 =	simm.s32 $0x480;
	[sflag:s25] =	ssyncadd.s32 $0xFFFFE000  }
0x2f: {  	s15 =	simm.s32 $0x8480;
	v0 =	vld [tilespmem:s14+$0x40]  }
0x30: {  	v1 =	vld [tilespmem:s15+$0x40]  }
0x31: {  	v2 =	vld [tilespmem:s14+$0xFFFFFFC0]  }
0x32: {  	v3 =	vld [tilespmem:s15+$0xFFFFFFC0]  }
0x33: {  	v4 =	vld [tilespmem:s14+$0x0]  }
0x34: {  	v5 =	vld [tilespmem:s15+$0x0]  }
0x35: {  	v6 =	vld [tilespmem:s14+$0xFFFFFF80];
	v0 =	vmul.f32 v1, v0  }
0x36: {  	v1 =	vld [tilespmem:s15+$0xFFFFFF80]  }
0x37: {  	[tilespmem:s14+$0x40] =	vst v0;
	v0 =	vld [tilespmem:s14+$0x50]  }
0x38: {  	v2 =	vmul.f32 v3, v2;
	v3 =	vld [tilespmem:s15+$0x50]  }
0x39: {  	v7 =	vld [tilespmem:s14+$0xFFFFFF90]  }
0x3a: {  	[tilespmem:s14+$0xFFFFFFC0] =	vst v2;
	v2 =	vmul.f32 v5, v4;
	v4 =	vld [tilespmem:s14+$0xFFFFFFD0]  }
0x3b: {  	v5 =	vld [tilespmem:s15+$0xFFFFFFD0];
	v1 =	vmul.f32 v1, v6  }
0x3c: {  	[tilespmem:s14+$0x0] =	vst v2;
	v2 =	vld [tilespmem:s14+$0x10]  }
0x3d: {  	v6 =	vld [tilespmem:s15+$0x10];
	[tilespmem:s14+$0xFFFFFF80] =	vst v1;
	v0 =	vmul.f32 v3, v0  }
0x3e: {  	v1 =	vld [tilespmem:s15+$0xFFFFFF90]  }
0x3f: {  	[tilespmem:s14+$0x50] =	vst v0;
	v0 =	vld [tilespmem:s14+$0x60]  }
0x40: {  	v3 =	vmul.f32 v5, v4;
	v4 =	vld [tilespmem:s15+$0x60]  }
0x41: {  	v5 =	vld [tilespmem:s14+$0xFFFFFFA0]  }
0x42: {  	[tilespmem:s14+$0xFFFFFFD0] =	vst v3;
	v2 =	vmul.f32 v6, v2;
	v3 =	vld [tilespmem:s14+$0xFFFFFFE0]  }
0x43: {  	v6 =	vld [tilespmem:s15+$0xFFFFFFE0];
	v1 =	vmul.f32 v1, v7  }
0x44: {  	[tilespmem:s14+$0x10] =	vst v2;
	v2 =	vld [tilespmem:s14+$0x20]  }
0x45: {  	v7 =	vld [tilespmem:s15+$0x20];
	[tilespmem:s14+$0xFFFFFF90] =	vst v1;
	v0 =	vmul.f32 v4, v0  }
0x46: {  	v4 =	vld [tilespmem:s15+$0xFFFFFFA0]  }
0x47: {  	v8 =	vld [tilespmem:s14+$0x70];
	[tilespmem:s14+$0x60] =	vst v0  }
0x48: {  	v1 =	vmul.f32 v6, v3;
	v6 =	vld [tilespmem:s15+$0x70]  }
0x49: {  	v0 =	vld [tilespmem:s14+$0xFFFFFFB0]  }
0x4a: {  	[tilespmem:s14+$0xFFFFFFE0] =	vst v1;
	v2 =	vmul.f32 v7, v2;
	v1 =	vld [tilespmem:s14+$0xFFFFFFF0]  }
0x4b: {  	v3 =	vld [tilespmem:s15+$0xFFFFFFF0];
	v4 =	vmul.f32 v4, v5  }
0x4c: {  	[tilespmem:s14+$0x20] =	vst v2;
	v2 =	vld [tilespmem:s14+$0x30]  }
0x4d: {  	[tilespmem:s14+$0xFFFFFFA0] =	vst v4;
	v4 =	vld [tilespmem:s15+$0x30];
	v6 =	vmul.f32 v6, v8  }
0x4e: {  	s16 =	simm.s32 $0x0;
	s18 =	simm.s32 $0x580;
	v5 =	vld [tilespmem:s15+$0xFFFFFFB0]  }
.LBB2_2:
0x4f: {  	v7 =	vld [tilespmem:s18+$0x40];
	[tilespmem:s14+$0x70] =	vst v6;
	s15 =	sadd.s32 $0x100, s15  }
0x50: {  	s16 =	sadd.s32 $0x4, s16;
	v6 =	vld [tilespmem:s15+$0x40];
	v1 =	vmul.f32 v3, v1  }
0x51: {  	p0 =	slt.u32 s16, $0x7C;
	v3 =	vld [tilespmem:s15+$0xFFFFFF80]  }
0x52: {  	v8 =	vld [tilespmem:s18+$0xFFFFFFC0];
	[tilespmem:s14+$0xFFFFFFF0] =	vst v1;
	v1 =	vmul.f32 v4, v2  }
0x53: {  	v2 =	vld [tilespmem:s15+$0xFFFFFFC0];
	v0 =	vmul.f32 v5, v0  }
0x54: {  	v4 =	vld [tilespmem:s18+$0x0];
	[tilespmem:s14+$0x30] =	vst v1  }
0x55: {  	v1 =	vld [tilespmem:s15+$0x0];
	v5 =	vmul.f32 v6, v7;
	[tilespmem:s14+$0xFFFFFFB0] =	vst v0;
	s14 =	smov.u32 s18  }
0x56: {  	v0 =	vld [tilespmem:s18+$0xFFFFFF80]  }
0x57: {  	[tilespmem:s18+$0x40] =	vst v5;
	v5 =	vld [tilespmem:s18+$0x50]  }
0x58: {  	v2 =	vmul.f32 v2, v8;
	v6 =	vld [tilespmem:s15+$0x50]  }
0x59: {  	v7 =	vld [tilespmem:s18+$0xFFFFFF90]  }
0x5a: {  	[tilespmem:s18+$0xFFFFFFC0] =	vst v2;
	v2 =	vld [tilespmem:s18+$0xFFFFFFD0];
	v1 =	vmul.f32 v1, v4  }
0x5b: {  	v0 =	vmul.f32 v3, v0;
	v3 =	vld [tilespmem:s15+$0xFFFFFFD0]  }
0x5c: {  	[tilespmem:s18+$0x0] =	vst v1;
	v1 =	vld [tilespmem:s18+$0x10]  }
0x5d: {  	[tilespmem:s18+$0xFFFFFF80] =	vst v0;
	v0 =	vld [tilespmem:s15+$0x10];
	v4 =	vmul.f32 v6, v5  }
0x5e: {  	v5 =	vld [tilespmem:s15+$0xFFFFFF90]  }
0x5f: {  	[tilespmem:s18+$0x50] =	vst v4;
	v4 =	vld [tilespmem:s18+$0x60]  }
0x60: {  	v2 =	vmul.f32 v3, v2;
	v3 =	vld [tilespmem:s15+$0x60]  }
0x61: {  	v6 =	vld [tilespmem:s18+$0xFFFFFFA0]  }
0x62: {  	[tilespmem:s18+$0xFFFFFFD0] =	vst v2;
	v2 =	vld [tilespmem:s18+$0xFFFFFFE0];
	v0 =	vmul.f32 v0, v1  }
0x63: {  	v1 =	vmul.f32 v5, v7;
	v5 =	vld [tilespmem:s15+$0xFFFFFFE0]  }
0x64: {  	[tilespmem:s18+$0x10] =	vst v0;
	v7 =	vld [tilespmem:s18+$0x20]  }
0x65: {  	[tilespmem:s18+$0xFFFFFF90] =	vst v1;
	v8 =	vld [tilespmem:s15+$0x20];
	v0 =	vmul.f32 v3, v4  }
0x66: {  	v3 =	vld [tilespmem:s15+$0xFFFFFFA0]  }
0x67: {  	[tilespmem:s18+$0x60] =	vst v0;
	v9 =	vld [tilespmem:s18+$0x70]  }
0x68: {  	v1 =	vmul.f32 v5, v2;
	v5 =	vld [tilespmem:s15+$0x70]  }
0x69: {  	v0 =	vld [tilespmem:s18+$0xFFFFFFB0]  }
.Ltmp0:
0x6a: {  	[tilespmem:s18+$0xFFFFFFE0] =	vst v1;
	v1 =	vld [tilespmem:s18+$0xFFFFFFF0];
	v2 =	vmul.f32 v8, v7;
	(pc) =	sbr.rel @p0 .LBB2_2-.Ltmp0, $4  }
0x6b: {  	v4 =	vmul.f32 v3, v6;
	v3 =	vld [tilespmem:s15+$0xFFFFFFF0]  }
0x6c: {  	[tilespmem:s18+$0x20] =	vst v2;
	v2 =	vld [tilespmem:s18+$0x30]  }
0x6d: {  	[tilespmem:s18+$0xFFFFFFA0] =	vst v4;
	v4 =	vld [tilespmem:s15+$0x30];
	v6 =	vmul.f32 v5, v9  }
0x6e: {  	s18 =	sadd.s32 $0x100, s18;
	v5 =	vld [tilespmem:s15+$0xFFFFFFB0]  }
0x6f: {  	_ =	sdelay $0x1  }
0x70: {  	v1 =	vmul.f32 v3, v1  }
0x71: {  	[tilespmem:s14+$0x70] =	vst v6;
	v2 =	vmul.f32 v4, v2  }
0x72: {  	[tilespmem:s14+$0xFFFFFFF0] =	vst v1;
	v0 =	vmul.f32 v5, v0  }
0x73: {  	[tilespmem:s14+$0x30] =	vst v2  }
0x74: {  	[tilespmem:s14+$0xFFFFFFB0] =	vst v0  }
0x75: {  	[hbm4b:s6+s2] =	stream.linear.scatter [tilespmem:s11], [sflag:$0x9], $0x2000, $0x38;
	[tilespmem:$0x10400] =	vst v63  }
0x76: {  	_ =	swait.ge [sflag:s26], $0x2000  }
0x77: {  	[sflag:s26] =	ssyncset.done $0x0  }
0x78: {  	[sflag:s26] =	ssyncadd.s32 $0xFFFFE000  }
0x79: {  	_ =	swait.ge [sflag:s28], $0x2000  }
0x7a: {  	[sflag:s28] =	ssyncset.done $0x0  }
0x7b: {  	s14 =	simm.s32 $0x24F0;
	[sflag:s28] =	ssyncadd.s32 $0xFFFFE000  }
0x7c: {  	s15 =	simm.s32 $0xA4F0;
	v0 =	vld [tilespmem:s14+$0xFFFFFFD0]  }
0x7d: {  	v1 =	vld [tilespmem:s15+$0xFFFFFFD0]  }
0x7e: {  	v2 =	vld [tilespmem:s14+$0xFFFFFF50]  }
0x7f: {  	v3 =	vld [tilespmem:s15+$0xFFFFFF50]  }
0x80: {  	v4 =	vld [tilespmem:s14+$0xFFFFFF90]  }
0x81: {  	v5 =	vld [tilespmem:s15+$0xFFFFFF90]  }
0x82: {  	v6 =	vld [tilespmem:s14+$0xFFFFFF10];
	v0 =	vmul.f32 v1, v0  }
0x83: {  	v1 =	vld [tilespmem:s15+$0xFFFFFF10]  }
0x84: {  	[tilespmem:s14+$0xFFFFFFD0] =	vst v0;
	v0 =	vld [tilespmem:s14+$0xFFFFFFE0]  }
0x85: {  	v2 =	vmul.f32 v3, v2;
	v3 =	vld [tilespmem:s15+$0xFFFFFFE0]  }
0x86: {  	v7 =	vld [tilespmem:s14+$0xFFFFFF20]  }
0x87: {  	[tilespmem:s14+$0xFFFFFF50] =	vst v2;
	v2 =	vmul.f32 v5, v4;
	v4 =	vld [tilespmem:s14+$0xFFFFFF60]  }
0x88: {  	v5 =	vld [tilespmem:s15+$0xFFFFFF60];
	v1 =	vmul.f32 v1, v6  }
0x89: {  	[tilespmem:s14+$0xFFFFFF90] =	vst v2;
	v2 =	vld [tilespmem:s14+$0xFFFFFFA0]  }
0x8a: {  	v6 =	vld [tilespmem:s15+$0xFFFFFFA0];
	[tilespmem:s14+$0xFFFFFF10] =	vst v1;
	v0 =	vmul.f32 v3, v0  }
0x8b: {  	v1 =	vld [tilespmem:s15+$0xFFFFFF20]  }
0x8c: {  	[tilespmem:s14+$0xFFFFFFE0] =	vst v0;
	v0 =	vld [tilespmem:s14+$0xFFFFFFF0]  }
0x8d: {  	v3 =	vmul.f32 v5, v4;
	v4 =	vld [tilespmem:s15+$0xFFFFFFF0]  }
0x8e: {  	v5 =	vld [tilespmem:s14+$0xFFFFFF30]  }
0x8f: {  	[tilespmem:s14+$0xFFFFFF60] =	vst v3;
	v2 =	vmul.f32 v6, v2;
	v3 =	vld [tilespmem:s14+$0xFFFFFF70]  }
0x90: {  	v6 =	vld [tilespmem:s15+$0xFFFFFF70];
	v1 =	vmul.f32 v1, v7  }
0x91: {  	[tilespmem:s14+$0xFFFFFFA0] =	vst v2;
	v2 =	vld [tilespmem:s14+$0xFFFFFFB0]  }
0x92: {  	v7 =	vld [tilespmem:s15+$0xFFFFFFB0];
	[tilespmem:s14+$0xFFFFFF20] =	vst v1;
	v0 =	vmul.f32 v4, v0  }
0x93: {  	v4 =	vld [tilespmem:s15+$0xFFFFFF30]  }
0x94: {  	v8 =	vld [tilespmem:s14+$0x0];
	[tilespmem:s14+$0xFFFFFFF0] =	vst v0  }
0x95: {  	v1 =	vmul.f32 v6, v3;
	v6 =	vld [tilespmem:s15+$0x0]  }
0x96: {  	v0 =	vld [tilespmem:s14+$0xFFFFFF40]  }
0x97: {  	[tilespmem:s14+$0xFFFFFF70] =	vst v1;
	v2 =	vmul.f32 v7, v2;
	v1 =	vld [tilespmem:s14+$0xFFFFFF80]  }
0x98: {  	v3 =	vld [tilespmem:s15+$0xFFFFFF80];
	v4 =	vmul.f32 v4, v5  }
0x99: {  	[tilespmem:s14+$0xFFFFFFB0] =	vst v2;
	v2 =	vld [tilespmem:s14+$0xFFFFFFC0]  }
0x9a: {  	[tilespmem:s14+$0xFFFFFF30] =	vst v4;
	v4 =	vld [tilespmem:s15+$0xFFFFFFC0];
	v6 =	vmul.f32 v6, v8  }
0x9b: {  	s16 =	simm.s32 $0x80;
	s18 =	simm.s32 $0x25F0;
	v5 =	vld [tilespmem:s15+$0xFFFFFF40]  }
.LBB2_4:
0x9c: {  	v7 =	vld [tilespmem:s18+$0xFFFFFFD0];
	[tilespmem:s14+$0x0] =	vst v6;
	s15 =	sadd.s32 $0x100, s15  }
0x9d: {  	s16 =	sadd.s32 $0x4, s16;
	v6 =	vld [tilespmem:s15+$0xFFFFFFD0];
	v1 =	vmul.f32 v3, v1  }
0x9e: {  	p0 =	slt.u32 s16, $0xFC;
	v3 =	vld [tilespmem:s15+$0xFFFFFF10]  }
0x9f: {  	v8 =	vld [tilespmem:s18+$0xFFFFFF50];
	[tilespmem:s14+$0xFFFFFF80] =	vst v1;
	v1 =	vmul.f32 v4, v2  }
0xa0: {  	v2 =	vld [tilespmem:s15+$0xFFFFFF50];
	v0 =	vmul.f32 v5, v0  }
0xa1: {  	v4 =	vld [tilespmem:s18+$0xFFFFFF90];
	[tilespmem:s14+$0xFFFFFFC0] =	vst v1  }
0xa2: {  	v1 =	vld [tilespmem:s15+$0xFFFFFF90];
	v5 =	vmul.f32 v6, v7;
	[tilespmem:s14+$0xFFFFFF40] =	vst v0;
	s14 =	smov.u32 s18  }
0xa3: {  	v0 =	vld [tilespmem:s18+$0xFFFFFF10]  }
0xa4: {  	[tilespmem:s18+$0xFFFFFFD0] =	vst v5;
	v5 =	vld [tilespmem:s18+$0xFFFFFFE0]  }
0xa5: {  	v2 =	vmul.f32 v2, v8;
	v6 =	vld [tilespmem:s15+$0xFFFFFFE0]  }
0xa6: {  	v7 =	vld [tilespmem:s18+$0xFFFFFF20]  }
0xa7: {  	[tilespmem:s18+$0xFFFFFF50] =	vst v2;
	v2 =	vld [tilespmem:s18+$0xFFFFFF60];
	v1 =	vmul.f32 v1, v4  }
0xa8: {  	v0 =	vmul.f32 v3, v0;
	v3 =	vld [tilespmem:s15+$0xFFFFFF60]  }
0xa9: {  	[tilespmem:s18+$0xFFFFFF90] =	vst v1;
	v1 =	vld [tilespmem:s18+$0xFFFFFFA0]  }
0xaa: {  	[tilespmem:s18+$0xFFFFFF10] =	vst v0;
	v0 =	vld [tilespmem:s15+$0xFFFFFFA0];
	v4 =	vmul.f32 v6, v5  }
0xab: {  	v5 =	vld [tilespmem:s15+$0xFFFFFF20]  }
0xac: {  	[tilespmem:s18+$0xFFFFFFE0] =	vst v4;
	v4 =	vld [tilespmem:s18+$0xFFFFFFF0]  }
0xad: {  	v2 =	vmul.f32 v3, v2;
	v3 =	vld [tilespmem:s15+$0xFFFFFFF0]  }
0xae: {  	v6 =	vld [tilespmem:s18+$0xFFFFFF30]  }
0xaf: {  	[tilespmem:s18+$0xFFFFFF60] =	vst v2;
	v2 =	vld [tilespmem:s18+$0xFFFFFF70];
	v0 =	vmul.f32 v0, v1  }
0xb0: {  	v1 =	vmul.f32 v5, v7;
	v5 =	vld [tilespmem:s15+$0xFFFFFF70]  }
0xb1: {  	[tilespmem:s18+$0xFFFFFFA0] =	vst v0;
	v7 =	vld [tilespmem:s18+$0xFFFFFFB0]  }
0xb2: {  	[tilespmem:s18+$0xFFFFFF20] =	vst v1;
	v8 =	vld [tilespmem:s15+$0xFFFFFFB0];
	v0 =	vmul.f32 v3, v4  }
0xb3: {  	v3 =	vld [tilespmem:s15+$0xFFFFFF30]  }
0xb4: {  	[tilespmem:s18+$0xFFFFFFF0] =	vst v0;
	v9 =	vld [tilespmem:s18+$0x0]  }
0xb5: {  	v1 =	vmul.f32 v5, v2;
	v5 =	vld [tilespmem:s15+$0x0]  }
0xb6: {  	v0 =	vld [tilespmem:s18+$0xFFFFFF40]  }
.Ltmp1:
0xb7: {  	[tilespmem:s18+$0xFFFFFF70] =	vst v1;
	v1 =	vld [tilespmem:s18+$0xFFFFFF80];
	v2 =	vmul.f32 v8, v7;
	(pc) =	sbr.rel @p0 .LBB2_4-.Ltmp1, $4  }
0xb8: {  	v4 =	vmul.f32 v3, v6;
	v3 =	vld [tilespmem:s15+$0xFFFFFF80]  }
0xb9: {  	[tilespmem:s18+$0xFFFFFFB0] =	vst v2;
	v2 =	vld [tilespmem:s18+$0xFFFFFFC0]  }
0xba: {  	[tilespmem:s18+$0xFFFFFF30] =	vst v4;
	v4 =	vld [tilespmem:s15+$0xFFFFFFC0];
	v6 =	vmul.f32 v5, v9  }
0xbb: {  	s18 =	sadd.s32 $0x100, s18;
	v5 =	vld [tilespmem:s15+$0xFFFFFF40]  }
0xbc: {  	_ =	sdelay $0x1  }
0xbd: {  	v1 =	vmul.f32 v3, v1  }
0xbe: {  	[tilespmem:s14+$0x0] =	vst v6;
	v2 =	vmul.f32 v4, v2  }
0xbf: {  	[tilespmem:s14+$0xFFFFFF80] =	vst v1;
	v0 =	vmul.f32 v5, v0  }
0xc0: {  	[tilespmem:s14+$0xFFFFFFC0] =	vst v2  }
0xc1: {  	s18 =	sadd.s32 $0x400, s6;
	s15 =	simm.s32 $0x0;
	[tilespmem:s14+$0xFFFFFF40] =	vst v0  }
0xc2: {  	[hbm4b:s18+s15] =	stream.linear.scatter [tilespmem:s13], [sflag:$0x9], $0x2000, $0x38;
	[tilespmem:$0x10400] =	vst v63  }
0xc3: {  	_ =	swait.ge [sflag:s29], $0x2000  }
0xc4: {  	[sflag:s29] =	ssyncset.done $0x0  }
0xc5: {  	[sflag:s29] =	ssyncadd.s32 $0xFFFFE000  }
0xc6: {  	_ =	swait.ge [sflag:s30], $0x2000  }
0xc7: {  	[sflag:s30] =	ssyncset.done $0x0  }
0xc8: {  	s14 =	simm.s32 $0x0;
	[sflag:s30] =	ssyncadd.s32 $0xFFFFE000  }
0xc9: {  	v0 =	vld [tilespmem:s14+$0x44F0]  }
0xca: {  	v1 =	vld [tilespmem:s14+$0xC4F0]  }
0xcb: {  	v2 =	vld [tilespmem:s14+$0x4400]  }
0xcc: {  	v3 =	vld [tilespmem:s14+$0xC400]  }
0xcd: {  	v4 =	vld [tilespmem:s14+$0x4410]  }
0xce: {  	v5 =	vld [tilespmem:s14+$0xC410]  }
0xcf: {  	v6 =	vld [tilespmem:s14+$0x4420]  }
0xd0: {  	v7 =	vld [tilespmem:s14+$0xC420]  }
0xd1: {  	v8 =	vld [tilespmem:s14+$0x4430]  }
0xd2: {  	v9 =	vld [tilespmem:s14+$0xC430]  }
0xd3: {  	v10 =	vld [tilespmem:s14+$0x4440]  }
0xd4: {  	v11 =	vld [tilespmem:s14+$0xC440]  }
0xd5: {  	v12 =	vld [tilespmem:s14+$0x4450]  }
0xd6: {  	v13 =	vld [tilespmem:s14+$0xC450]  }
0xd7: {  	v14 =	vld [tilespmem:s14+$0x4460]  }
0xd8: {  	v15 =	vld [tilespmem:s14+$0xC460]  }
0xd9: {  	v16 =	vld [tilespmem:s14+$0x4470]  }
0xda: {  	v61 =	vld [tilespmem:s14+$0xC4A0];
	v0 =	vmul.f32 v1, v0  }
0xdb: {  	v1 =	vld [tilespmem:s14+$0xC470];
	v2 =	vmul.f32 v3, v2  }
0xdc: {  	v3 =	vld [tilespmem:s14+$0x4480];
	[tilespmem:s14+$0x44F0] =	vst v0;
	v0 =	vmul.f32 v5, v4  }
0xdd: {  	v4 =	vld [tilespmem:s14+$0xC480];
	[tilespmem:s14+$0x4400] =	vst v2;
	v2 =	vmul.f32 v7, v6  }
0xde: {  	v5 =	vld [tilespmem:s14+$0x4490];
	[tilespmem:s14+$0x4410] =	vst v0;
	v0 =	vmul.f32 v9, v8  }
0xdf: {  	v6 =	vld [tilespmem:s14+$0xC490];
	[tilespmem:s14+$0x4420] =	vst v2;
	v2 =	vmul.f32 v11, v10  }
0xe0: {  	v7 =	vld [tilespmem:s14+$0x44A0];
	v1 =	vmul.f32 v1, v16;
	[tilespmem:s14+$0x4430] =	vst v0  }
0xe1: {  	v62 =	vld [tilespmem:s14+$0x44B0];
	v0 =	vmul.f32 v13, v12;
	[tilespmem:s14+$0x4440] =	vst v2  }
0xe2: {  	v63 =	vld [tilespmem:s14+$0xC4B0];
	v2 =	vmul.f32 v15, v14;
	[tilespmem:s14+$0x4470] =	vst v1  }
0xe3: {  	v3 =	vmul.f32 v4, v3;
	[tilespmem:s14+$0x4450] =	vst v0;
	v0 =	vld [tilespmem:s14+$0x44C0]  }
0xe4: {  	v4 =	vmul.f32 v6, v5;
	[tilespmem:s14+$0x4460] =	vst v2;
	v2 =	vld [tilespmem:s14+$0xC4C0]  }
0xe5: {  	v5 =	vmul.f32 v61, v7;
	v1 =	vld [tilespmem:s14+$0x44D0];
	[tilespmem:s14+$0x4480] =	vst v3  }
0xe6: {  	[tilespmem:s14+$0x4490] =	vst v4;
	v3 =	vld [tilespmem:s14+$0xC4D0]  }
0xe7: {  	s16 =	simm.s32 $0x400;
	s15 =	simm.s32 $0x100;
	[tilespmem:s14+$0x44A0] =	vst v5;
	v5 =	vmul.f32 v63, v62;
	v4 =	vld [tilespmem:s14+$0x44E0]  }
.LBB2_6:
0xe8: {  	s18 =	sshra.s32 s16, $0x2;
	v6 =	vld [tilespmem:s14+$0xC4E0]  }
0xe9: {  	s15 =	sadd.s32 $0x4, s15;
	v7 =	vld [tilespmem:s18+$0x44F0];
	[tilespmem:s14+$0x44B0] =	vst v5;
	v0 =	vmul.f32 v2, v0  }
0xea: {  	p0 =	slt.u32 s15, $0x17C;
	v2 =	vld [tilespmem:s18+$0xC4F0]  }
0xeb: {  	v5 =	vld [tilespmem:s18+$0x4400];
	[tilespmem:s14+$0x44C0] =	vst v0;
	v0 =	vmul.f32 v3, v1  }
0xec: {  	v1 =	vld [tilespmem:s18+$0xC400]  }
0xed: {  	v3 =	vld [tilespmem:s18+$0x4410];
	[tilespmem:s14+$0x44D0] =	vst v0;
	v0 =	vmul.f32 v6, v4  }
0xee: {  	v4 =	vld [tilespmem:s18+$0xC410]  }
0xef: {  	v6 =	vld [tilespmem:s18+$0x4420];
	v2 =	vmul.f32 v2, v7;
	[tilespmem:s14+$0x44E0] =	vst v0;
	s14 =	smov.u32 s18  }
0xf0: {  	v0 =	vld [tilespmem:s14+$0xC420]  }
0xf1: {  	v1 =	vmul.f32 v1, v5;
	v5 =	vld [tilespmem:s14+$0x4430];
	[tilespmem:s14+$0x44F0] =	vst v2  }
0xf2: {  	v2 =	vld [tilespmem:s14+$0xC430]  }
0xf3: {  	[tilespmem:s14+$0x4400] =	vst v1;
	v1 =	vmul.f32 v4, v3;
	v3 =	vld [tilespmem:s14+$0x4440]  }
0xf4: {  	v4 =	vld [tilespmem:s14+$0xC440]  }
0xf5: {  	[tilespmem:s14+$0x4410] =	vst v1;
	v0 =	vmul.f32 v0, v6;
	v1 =	vld [tilespmem:s14+$0x4450]  }
0xf6: {  	v6 =	vld [tilespmem:s14+$0xC450]  }
0xf7: {  	[tilespmem:s14+$0x4420] =	vst v0;
	v0 =	vmul.f32 v2, v5;
	v2 =	vld [tilespmem:s14+$0x4460]  }
0xf8: {  	v5 =	vld [tilespmem:s14+$0xC460]  }
0xf9: {  	[tilespmem:s14+$0x4430] =	vst v0;
	v0 =	vmul.f32 v4, v3;
	v3 =	vld [tilespmem:s14+$0x4470]  }
0xfa: {  	v4 =	vld [tilespmem:s14+$0xC470]  }
0xfb: {  	[tilespmem:s14+$0x4440] =	vst v0;
	v0 =	vmul.f32 v6, v1;
	v1 =	vld [tilespmem:s14+$0x4480]  }
0xfc: {  	v6 =	vld [tilespmem:s14+$0xC480]  }
0xfd: {  	[tilespmem:s14+$0x4450] =	vst v0;
	v0 =	vmul.f32 v5, v2;
	v2 =	vld [tilespmem:s14+$0x4490]  }
0xfe: {  	v5 =	vld [tilespmem:s14+$0xC490]  }
0xff: {  	[tilespmem:s14+$0x4460] =	vst v0;
	v0 =	vmul.f32 v4, v3;
	v3 =	vld [tilespmem:s14+$0x44A0]  }
0x100: {  	v4 =	vld [tilespmem:s14+$0xC4A0]  }
0x101: {  	[tilespmem:s14+$0x4470] =	vst v0;
	v0 =	vmul.f32 v6, v1;
	v6 =	vld [tilespmem:s14+$0x44B0]  }
0x102: {  	v7 =	vld [tilespmem:s14+$0xC4B0]  }
.Ltmp2:
0x103: {  	[tilespmem:s14+$0x4480] =	vst v0;
	v1 =	vmul.f32 v5, v2;
	v0 =	vld [tilespmem:s14+$0x44C0];
	(pc) =	sbr.rel @p0 .LBB2_6-.Ltmp2, $4  }
0x104: {  	v2 =	vld [tilespmem:s14+$0xC4C0]  }
0x105: {  	[tilespmem:s14+$0x4490] =	vst v1;
	v4 =	vmul.f32 v4, v3;
	v1 =	vld [tilespmem:s14+$0x44D0]  }
0x106: {  	v3 =	vld [tilespmem:s14+$0xC4D0]  }
0x107: {  	s16 =	sadd.s32 $0x400, s16;
	[tilespmem:s14+$0x44A0] =	vst v4;
	v5 =	vmul.f32 v7, v6;
	v4 =	vld [tilespmem:s14+$0x44E0]  }
0x108: {  	v6 =	vld [tilespmem:s14+$0xC4E0];
	_ =	sdelay $0x2  }
0x109: {  	v0 =	vmul.f32 v2, v0  }
0x10a: {  	[tilespmem:s14+$0x44B0] =	vst v5;
	v1 =	vmul.f32 v3, v1  }
0x10b: {  	[tilespmem:s14+$0x44C0] =	vst v0;
	v0 =	vmul.f32 v6, v4  }
0x10c: {  	[tilespmem:s14+$0x44D0] =	vst v1  }
0x10d: {  	s18 =	sadd.s32 $0x800, s6;
	s15 =	simm.s32 $0x0;
	[tilespmem:s14+$0x44E0] =	vst v0  }
0x10e: {  	[hbm4b:s18+s15] =	stream.linear.scatter [tilespmem:s17], [sflag:$0x9], $0x2000, $0x38;
	[tilespmem:$0x10400] =	vst v63  }
0x10f: {  	_ =	swait.ge [sflag:s31], $0x2000  }
0x110: {  	[sflag:s31] =	ssyncset.done $0x0  }
0x111: {  	[sflag:s31] =	ssyncadd.s32 $0xFFFFE000  }
0x112: {  	_ =	swait.ge [sflag:s0], $0x2000  }
0x113: {  	[sflag:s0] =	ssyncset.done $0x0  }
0x114: {  	s14 =	simm.s32 $0x0;
	[sflag:s0] =	ssyncadd.s32 $0xFFFFE000  }
0x115: {  	v0 =	vld [tilespmem:s14+$0x64F0]  }
0x116: {  	v1 =	vld [tilespmem:s14+$0xE4F0]  }
0x117: {  	v2 =	vld [tilespmem:s14+$0x6400]  }
0x118: {  	v3 =	vld [tilespmem:s14+$0xE400]  }
0x119: {  	v4 =	vld [tilespmem:s14+$0x6410]  }
0x11a: {  	v5 =	vld [tilespmem:s14+$0xE410]  }
0x11b: {  	v6 =	vld [tilespmem:s14+$0x6420]  }
0x11c: {  	v7 =	vld [tilespmem:s14+$0xE420]  }
0x11d: {  	v8 =	vld [tilespmem:s14+$0x6430]  }
0x11e: {  	v9 =	vld [tilespmem:s14+$0xE430]  }
0x11f: {  	v10 =	vld [tilespmem:s14+$0x6440]  }
0x120: {  	v11 =	vld [tilespmem:s14+$0xE440]  }
0x121: {  	v12 =	vld [tilespmem:s14+$0x6450]  }
0x122: {  	v13 =	vld [tilespmem:s14+$0xE450]  }
0x123: {  	v14 =	vld [tilespmem:s14+$0x6460]  }
0x124: {  	v15 =	vld [tilespmem:s14+$0xE460]  }
0x125: {  	v16 =	vld [tilespmem:s14+$0x6470]  }
0x126: {  	v61 =	vld [tilespmem:s14+$0xE4A0];
	v0 =	vmul.f32 v1, v0  }
0x127: {  	v1 =	vld [tilespmem:s14+$0xE470];
	v2 =	vmul.f32 v3, v2  }
0x128: {  	v3 =	vld [tilespmem:s14+$0x6480];
	[tilespmem:s14+$0x64F0] =	vst v0;
	v0 =	vmul.f32 v5, v4  }
0x129: {  	v4 =	vld [tilespmem:s14+$0xE480];
	[tilespmem:s14+$0x6400] =	vst v2;
	v2 =	vmul.f32 v7, v6  }
0x12a: {  	v5 =	vld [tilespmem:s14+$0x6490];
	[tilespmem:s14+$0x6410] =	vst v0;
	v0 =	vmul.f32 v9, v8  }
0x12b: {  	v6 =	vld [tilespmem:s14+$0xE490];
	[tilespmem:s14+$0x6420] =	vst v2;
	v2 =	vmul.f32 v11, v10  }
0x12c: {  	v7 =	vld [tilespmem:s14+$0x64A0];
	v1 =	vmul.f32 v1, v16;
	[tilespmem:s14+$0x6430] =	vst v0  }
0x12d: {  	v62 =	vld [tilespmem:s14+$0x64B0];
	v0 =	vmul.f32 v13, v12;
	[tilespmem:s14+$0x6440] =	vst v2  }
0x12e: {  	v63 =	vld [tilespmem:s14+$0xE4B0];
	v2 =	vmul.f32 v15, v14;
	[tilespmem:s14+$0x6470] =	vst v1  }
0x12f: {  	v3 =	vmul.f32 v4, v3;
	[tilespmem:s14+$0x6450] =	vst v0;
	v0 =	vld [tilespmem:s14+$0x64C0]  }
0x130: {  	v4 =	vmul.f32 v6, v5;
	[tilespmem:s14+$0x6460] =	vst v2;
	v2 =	vld [tilespmem:s14+$0xE4C0]  }
0x131: {  	v5 =	vmul.f32 v61, v7;
	v1 =	vld [tilespmem:s14+$0x64D0];
	[tilespmem:s14+$0x6480] =	vst v3  }
0x132: {  	[tilespmem:s14+$0x6490] =	vst v4;
	v3 =	vld [tilespmem:s14+$0xE4D0]  }
0x133: {  	s16 =	simm.s32 $0x400;
	s15 =	simm.s32 $0x180;
	[tilespmem:s14+$0x64A0] =	vst v5;
	v5 =	vmul.f32 v63, v62;
	v4 =	vld [tilespmem:s14+$0x64E0]  }
.LBB2_8:
0x134: {  	s18 =	sshra.s32 s16, $0x2;
	v6 =	vld [tilespmem:s14+$0xE4E0]  }
0x135: {  	s15 =	sadd.s32 $0x4, s15;
	v7 =	vld [tilespmem:s18+$0x64F0];
	[tilespmem:s14+$0x64B0] =	vst v5;
	v0 =	vmul.f32 v2, v0  }
0x136: {  	p0 =	slt.u32 s15, $0x1FC;
	v2 =	vld [tilespmem:s18+$0xE4F0]  }
0x137: {  	v5 =	vld [tilespmem:s18+$0x6400];
	[tilespmem:s14+$0x64C0] =	vst v0;
	v0 =	vmul.f32 v3, v1  }
0x138: {  	v1 =	vld [tilespmem:s18+$0xE400]  }
0x139: {  	v3 =	vld [tilespmem:s18+$0x6410];
	[tilespmem:s14+$0x64D0] =	vst v0;
	v0 =	vmul.f32 v6, v4  }
0x13a: {  	v4 =	vld [tilespmem:s18+$0xE410]  }
0x13b: {  	v6 =	vld [tilespmem:s18+$0x6420];
	v2 =	vmul.f32 v2, v7;
	[tilespmem:s14+$0x64E0] =	vst v0;
	s14 =	smov.u32 s18  }
0x13c: {  	v0 =	vld [tilespmem:s14+$0xE420]  }
0x13d: {  	v1 =	vmul.f32 v1, v5;
	v5 =	vld [tilespmem:s14+$0x6430];
	[tilespmem:s14+$0x64F0] =	vst v2  }
0x13e: {  	v2 =	vld [tilespmem:s14+$0xE430]  }
0x13f: {  	[tilespmem:s14+$0x6400] =	vst v1;
	v1 =	vmul.f32 v4, v3;
	v3 =	vld [tilespmem:s14+$0x6440]  }
0x140: {  	v4 =	vld [tilespmem:s14+$0xE440]  }
0x141: {  	[tilespmem:s14+$0x6410] =	vst v1;
	v0 =	vmul.f32 v0, v6;
	v1 =	vld [tilespmem:s14+$0x6450]  }
0x142: {  	v6 =	vld [tilespmem:s14+$0xE450]  }
0x143: {  	[tilespmem:s14+$0x6420] =	vst v0;
	v0 =	vmul.f32 v2, v5;
	v2 =	vld [tilespmem:s14+$0x6460]  }
0x144: {  	v5 =	vld [tilespmem:s14+$0xE460]  }
0x145: {  	[tilespmem:s14+$0x6430] =	vst v0;
	v0 =	vmul.f32 v4, v3;
	v3 =	vld [tilespmem:s14+$0x6470]  }
0x146: {  	v4 =	vld [tilespmem:s14+$0xE470]  }
0x147: {  	[tilespmem:s14+$0x6440] =	vst v0;
	v0 =	vmul.f32 v6, v1;
	v1 =	vld [tilespmem:s14+$0x6480]  }
0x148: {  	v6 =	vld [tilespmem:s14+$0xE480]  }
0x149: {  	[tilespmem:s14+$0x6450] =	vst v0;
	v0 =	vmul.f32 v5, v2;
	v2 =	vld [tilespmem:s14+$0x6490]  }
0x14a: {  	v5 =	vld [tilespmem:s14+$0xE490]  }
0x14b: {  	[tilespmem:s14+$0x6460] =	vst v0;
	v0 =	vmul.f32 v4, v3;
	v3 =	vld [tilespmem:s14+$0x64A0]  }
0x14c: {  	v4 =	vld [tilespmem:s14+$0xE4A0]  }
0x14d: {  	[tilespmem:s14+$0x6470] =	vst v0;
	v0 =	vmul.f32 v6, v1;
	v6 =	vld [tilespmem:s14+$0x64B0]  }
0x14e: {  	v7 =	vld [tilespmem:s14+$0xE4B0]  }
.Ltmp3:
0x14f: {  	[tilespmem:s14+$0x6480] =	vst v0;
	v1 =	vmul.f32 v5, v2;
	v0 =	vld [tilespmem:s14+$0x64C0];
	(pc) =	sbr.rel @p0 .LBB2_8-.Ltmp3, $4  }
0x150: {  	v2 =	vld [tilespmem:s14+$0xE4C0]  }
0x151: {  	[tilespmem:s14+$0x6490] =	vst v1;
	v4 =	vmul.f32 v4, v3;
	v1 =	vld [tilespmem:s14+$0x64D0]  }
0x152: {  	v3 =	vld [tilespmem:s14+$0xE4D0]  }
0x153: {  	s16 =	sadd.s32 $0x400, s16;
	[tilespmem:s14+$0x64A0] =	vst v4;
	v5 =	vmul.f32 v7, v6;
	v4 =	vld [tilespmem:s14+$0x64E0]  }
0x154: {  	v6 =	vld [tilespmem:s14+$0xE4E0];
	_ =	sdelay $0x2  }
0x155: {  	v0 =	vmul.f32 v2, v0  }
0x156: {  	[tilespmem:s14+$0x64B0] =	vst v5;
	v1 =	vmul.f32 v3, v1  }
0x157: {  	[tilespmem:s14+$0x64C0] =	vst v0;
	v63 =	vmul.f32 v6, v4  }
0x158: {  	[tilespmem:s14+$0x64D0] =	vst v1  }
0x159: {  	s18 =	sadd.s32 $0xC00, s6;
	[tilespmem:s14+$0x64E0] =	vst v63  }
0x15a: {  	[hbm4b:s18+s2] =	stream.linear.scatter [tilespmem:s21], [sflag:$0x9], $0x2000, $0x38;
	[tilespmem:$0x10400] =	vst v63  }
0x15b: {  	_ =	swait.ge [sflag:s1], $0x2000  }
0x15c: {  	[sflag:s1] =	ssyncset.done $0x0  }
0x15d: {  	[sflag:s1] =	ssyncadd.s32 $0xFFFFE000  }
0x15e: {  	_ =	swait.ge [sflag:s1], $0x2000  }
0x15f: {  	[sflag:s1] =	ssyncset.done $0x0  }
0x160: {  	s12 =	sadd.s32 $0x1, s12;
	[sflag:s1] =	ssyncadd.s32 $0xFFFFE000  }
0x161: {  	p0 =	sne.s32 s12, s7;
	_ =	swait.ge [sflag:s1], $0x2000  }
.Ltmp4:
0x162: {  	[sflag:s1] =	ssyncset.done $0x0;
	(pc) =	sbr.rel @p0 .LBB2_1-.Ltmp4, $4  }
0x163: {  	[sflag:s1] =	ssyncadd.s32 $0xFFFFE000  }
0x164: {  	_ =	swait.ge [sflag:s1], $0x2000  }
0x165: {  	[sflag:s1] =	ssyncset.done $0x0  }
0x166: {  	[sflag:s1] =	ssyncadd.s32 $0xFFFFE000  }
0x167: {  	_ =	sfence.sel $0x180000  }
0x168: {  	[bflag:$0x0] =	sbarrier.arrive $0xFFFF  }
0x169: {  	_ =	strace $0x90000047  }
0x16a: {  	s0 =	stileid.u32;
	[bflag:$0x2] =	sbarrier.arrive $0xFFFF  }
0x16b: {  	p0 =	sne.s32 s0, $0x0;
	s0 =	rddreg [dreg:$0x4]  }
0x16c: {  	s0 =	sadd.s32 @!p0 $0x100000, s0  }
0x16d: {  	[sflag:s0] =	ssyncadd.tile.s32 @!p0 $0x1;
	_ =	shalt  }
.Lfunc_end2:
_tile_overlayer_lowered:
.L_overlay_start_2:
0x16e: {  	(tag) =	ssettag $0x2  }
0x16f: {  	s0 =	rddreg [dreg:$0x0];
	s2 =	stileid.u32  }
0x170: {  	s1 =	rddreg [dreg:$0x1];
	p0 =	sne.s32 s2, $0x0  }
0x171: {  	s3 =	rddreg [dreg:$0x2];
	[bflag:$0x3] =	sbarrier.arrive $0xFFFF;
	s2 =	simm.s32 @!p0 $0x1C0A  }
0x172: {  	[timem:s3], [sflag:s2] =	dma.local @!p0 [hbm:s0], s1  }
0x173: {  	s0 =	simm.s32 @!p0 $0xA  }
0x174: {  	_ =	swait.ge @!p0 [sflag:s0], s1  }
0x175: {  	s1 =	ssub.s32 @!p0 $0x0, s1;
	[sflag:s0] =	ssyncset.done @!p0 $0x0  }
0x176: {  	[sflag:s0] =	ssyncadd.s32 @!p0 s1  }
0x177: {  	[bflag:$0x3] =	sbarrier.arrive $0xFFFF  }
0x178: {  	_ =	shalt  }

</sc_bundles>
